<compile_context>
chip_gen: v7x
topology: tpu7x:2x2x1
jax: 0.10.2.dev20260603
libtpu: 0.0.44.dev20260713+nightly
codegen_flags: <defaults>
</compile_context>

<pallas_src>
import functools

import jax
import jax.numpy as jnp
from jax import lax
from jax.experimental import pallas as pl
from jax.experimental.pallas import tpu as pltpu
from jax.experimental.pallas import tpu_sc as plsc

_RNG = 7
_SIDE = _RNG + 1
_PAD_IDX = _SIDE * _SIDE


@functools.lru_cache(maxsize=None)
def _build_sc_fn(H, nx, ny):
    N = nx * ny
    NC, NS = 2, 16
    NW = NC * NS
    NB = NW // H
    BR = ny // NB
    NP = 128 // ny
    FLEN = (2 * _RNG + 1) * ny
    ZPRE = ny * (nx - 1 - _RNG)
    ZP = 2048

    mesh = plsc.VectorSubcoreMesh(core_axis_name="c", subcore_axis_name="s")

    @functools.partial(
        pl.kernel,
        mesh=mesh,
        out_type=jax.ShapeDtypeStruct((H, N, N), jnp.float32),
        scratch_types=[
            pltpu.VMEM(((_PAD_IDX + 1) * H,), jnp.float32),
        ]
        + [pltpu.VMEM((BR, ZP), jnp.float32) for _ in range(NP)]
        + [pltpu.SemaphoreType.DMA],
        compiler_params=pltpu.CompilerParams(needs_layout_passes=False),
    )
    def sc(table_hbm, out_hbm, tab_v, z0, z1, z2, z3, sem):
        zp = (z0, z1, z2, z3)
        cid = lax.axis_index("c")
        sid = lax.axis_index("s")
        wid = sid * NC + cid
        h = wid // NB
        blk = wid % NB
        lane = lax.iota(jnp.int32, 16)

        pltpu.sync_copy(table_hbm, tab_v)

        ZMAX = ZPRE + (_RNG - NP + 1) * ny + N
        zeros16 = jnp.zeros((16,), jnp.float32)
        for p in range(NP):
            front = ZPRE - p * ny
            back = front + FLEN

            def zfront(j, carry, front=front):
                for r in range(BR):
                    zp[p][r, pl.ds(j * 16, 16)] = zeros16
                return carry

            def zback(j, carry, back=back):
                for r in range(BR):
                    zp[p][r, pl.ds(back + j * 16, 16)] = zeros16
                return carry

            lax.fori_loop(0, front // 16, zfront, 0)
            lax.fori_loop(0, (ZMAX - back) // 16, zback, 0)

        hvec = jnp.zeros((16,), jnp.int32) + h
        for r in range(BR):
            yi = blk * BR + r

            def f_body(v, carry):
                tt = lane + v * 16
                a = jnp.abs((tt >> 5) - _RNG)
                b = jnp.abs(yi - (tt & (ny - 1)))
                tok = jnp.where(b <= _RNG, a * _SIDE + b, _PAD_IDX)
                vals = plsc.load_gather(tab_v, [tok * H + hvec])
                for p in range(NP):
                    zp[p][r, pl.ds(ZPRE - p * ny + v * 16, 16)] = vals
                return carry

            lax.fori_loop(0, FLEN // 16, f_body, 0)

        def out_body(g, carry):
            off = pl.multiple_of(ZPRE + _RNG * ny - NP * ny * g - 3 * ny, 128)
            for p in range(NP):
                xi = g * NP + (NP - 1 - p)
                row0 = pl.multiple_of(xi * ny + blk * BR, BR)
                pltpu.async_copy(
                    zp[p].at[:, pl.ds(off, N)],
                    out_hbm.at[h, pl.ds(row0, BR)],
                    sem,
                )
            return carry

        lax.fori_loop(0, nx // NP, out_body, 0)

        def drain_body(j, carry):
            pltpu.make_async_copy(
                z0.at[:, pl.ds(0, N)], out_hbm.at[0, pl.ds(0, BR)], sem
            ).wait()
            return carry

        lax.fori_loop(0, nx, drain_body, 0)

    return sc


def kernel(x, table):
    nx, ny = x.shape[-2], x.shape[-1]
    H = table.shape[1]
    fn = _build_sc_fn(H, nx, ny)
    return fn(table.reshape(-1))

# --- scband reference (transcript-rebuilt; emitter-appended) ---
"""Pipeline reference for scband-learnable-rel-pos-embedding-89550068122321 (READ-ONLY COPY).

The authoritative reference and input builder live on the scoring server;
editing this copy changes nothing except your own understanding.
"""

import jax, jax.numpy as jnp
import numpy as np

RNG = 7
NUM_HEADS = 8
MAX_IDX = (RNG + 1) ** 2  # 64 (half-symmetric); padding idx = MAX_IDX


def setup_inputs(seed: int = 0) -> dict:
    key = jax.random.key(seed)
    k1, k2 = jax.random.split(key)
    x = jax.random.normal(k1, (1, 96, 32, 32), dtype=jnp.float32)
    # nn.Embedding weight: (MAX_IDX + 1, NUM_HEADS), padding row zeroed
    table = jax.random.normal(k2, (MAX_IDX + 1, NUM_HEADS), dtype=jnp.float32)
    table = table.at[MAX_IDX].set(0.0)
    return {"x": x, "table": table}


def _tokenize(nx, ny):
    xs = jnp.arange(nx)
    ys = jnp.arange(ny)
    x_mesh, y_mesh = jnp.meshgrid(xs, ys, indexing="ij")
    x_mesh = x_mesh.reshape(-1)
    y_mesh = y_mesh.reshape(-1)
    dx = x_mesh[None, :] - x_mesh[:, None]
    dy = y_mesh[None, :] - y_mesh[:, None]
    tokens = jnp.abs(dx) * (RNG + 1) + jnp.abs(dy)
    oob = jnp.logical_or(jnp.abs(dx) > RNG, jnp.abs(dy) > RNG)
    tokens = jnp.where(oob, MAX_IDX, tokens)
    return tokens.astype(jnp.int32)


def reference(x, table):
    nx, ny = x.shape[-2], x.shape[-1]
    tokens = _tokenize(nx, ny)  # (N, N), N = nx*ny
    emb = jnp.take(table, tokens, axis=0)  # (N, N, num_heads)
    return jnp.transpose(emb, (2, 0, 1))  # (num_heads, N, N)

if __name__ == "__main__":
    import jax
    _d = setup_inputs()
    print(jax.jit(kernel)(*tuple(_d.values())))

</pallas_src>

<mosaic_0001>
#map = affine_map<(d0, d1) -> (0)>
#map1 = affine_map<(d0, d1) -> (0, 0, 0)>
module attributes {stable_mosaic.version = 14 : i64} {
  func.func @sc(%arg0: i32, %arg1: i32, %arg2: memref<520xf32, #tpu.memory_space<hbm>>, %arg3: memref<8x1024x1024xf32, #tpu.memory_space<hbm>>, %arg4: memref<520xf32, #tpu.memory_space<vmem>>, %arg5: memref<8x2048xf32, #tpu.memory_space<vmem>>, %arg6: memref<8x2048xf32, #tpu.memory_space<vmem>>, %arg7: memref<8x2048xf32, #tpu.memory_space<vmem>>, %arg8: memref<8x2048xf32, #tpu.memory_space<vmem>>, %arg9: memref<!tpu.dma_semaphore, #tpu.memory_space<semaphore_mem>>) attributes {dimension_semantics = [#tpu.dimension_semantics<core_parallel>, #tpu.dimension_semantics<subcore_parallel>], iteration_bounds = array<i64: 2, 16>, scalar_prefetch = 0 : i64, scratch_operands = 6 : i64, tpu.core_type = #tpu.core_type<sc_vector_subcore>, window_params = [{transform_indices = #map}, {transform_indices = #map1}]} {
    %mul3A = arith.constant 2 : i32
    %mul3A_0 = arith.muli %arg1, %mul3A : i32
    %add3A = arith.addi %mul3A_0, %arg0 : i32
    %jit3A = arith.constant 4 : i32
    %div3A = arith.divsi %add3A, %jit3A : i32
    %sign3A = arith.constant 0 : i32
    %sign3A_1 = arith.cmpi sgt, %add3A, %sign3A : i32
    %sign3A_2 = arith.extui %sign3A_1 : i1 to i32
    %sign3A_3 = arith.constant 0 : i32
    %sign3A_4 = arith.cmpi slt, %add3A, %sign3A_3 : i32
    %sign3A_5 = arith.extui %sign3A_4 : i1 to i32
    %sign3A_6 = arith.subi %sign3A_2, %sign3A_5 : i32
    %sign3A_7 = arith.constant 0 : i32
    %sign3A_8 = arith.cmpi sgt, %jit3A, %sign3A_7 : i32
    %sign3A_9 = arith.extui %sign3A_8 : i1 to i32
    %sign3A_10 = arith.constant 0 : i32
    %sign3A_11 = arith.cmpi slt, %jit3A, %sign3A_10 : i32
    %sign3A_12 = arith.extui %sign3A_11 : i1 to i32
    %sign3A_13 = arith.subi %sign3A_9, %sign3A_12 : i32
    %ne3A = arith.cmpi ne, %sign3A_6, %sign3A_13 : i32
    %rem3A = arith.remsi %add3A, %jit3A : i32
    %ne3A_14 = arith.constant 0 : i32
    %ne3A_15 = arith.cmpi ne, %rem3A, %ne3A_14 : i32
    %and3A = arith.andi %ne3A, %ne3A_15 : i1
    %sub3A = arith.constant 1 : i32
    %sub3A_16 = arith.subi %div3A, %sub3A : i32
    %select_n3A = arith.select %and3A, %sub3A_16, %div3A : i32
    %jit3A_17 = arith.constant 4 : i32
    %eq3A = arith.constant 0 : i32
    %eq3A_18 = arith.cmpi eq, %jit3A_17, %eq3A : i32
    %jit3A_19 = arith.constant 1 : i32
    %select_n3A_20 = arith.select %eq3A_18, %jit3A_19, %jit3A_17 : i32
    %rem3A_21 = arith.remsi %add3A, %select_n3A_20 : i32
    %ne3A_22 = arith.constant 0 : i32
    %ne3A_23 = arith.cmpi ne, %rem3A_21, %ne3A_22 : i32
    %lt3A = arith.constant 0 : i32
    %lt3A_24 = arith.cmpi slt, %rem3A_21, %lt3A : i32
    %lt3A_25 = arith.constant 0 : i32
    %lt3A_26 = arith.cmpi slt, %select_n3A_20, %lt3A_25 : i32
    %ne3A_27 = arith.xori %lt3A_24, %lt3A_26 : i1
    %and3A_28 = arith.andi %ne3A_27, %ne3A_23 : i1
    %add3A_29 = arith.addi %rem3A_21, %select_n3A_20 : i32
    %select_n3A_30 = arith.select %and3A_28, %add3A_29, %rem3A_21 : i32
    %iota3A = tpu.iota {dimensions = array<i32: 0>} : vector<16xi32>
    "tpu.region"() ({
      %run_scoped3A = tpu.sem_alloc : memref<!tpu.dma_semaphore, #tpu.memory_space<semaphore_mem>>
      tpu.enqueue_dma source(%arg2 : memref<520xf32, #tpu.memory_space<hbm>>) target(%arg4 : memref<520xf32, #tpu.memory_space<vmem>>) target_semaphore(%run_scoped3A : memref<!tpu.dma_semaphore, #tpu.memory_space<semaphore_mem>>)
      tpu.wait_dma2 semaphore(%run_scoped3A : memref<!tpu.dma_semaphore, #tpu.memory_space<semaphore_mem>>) src(%arg2 : memref<520xf32, #tpu.memory_space<hbm>>) dst(%arg4 : memref<520xf32, #tpu.memory_space<vmem>>)
      tpu.yield
    }) : () -> ()
    %broadcast_in_dim3A = arith.constant 0.000000e+00 : f32
    %broadcast_in_dim3A_31 = vector.broadcast %broadcast_in_dim3A : f32 to vector<16xf32>
    %scan3A = arith.constant 0 : i32
    %scan3A_32 = arith.constant 0 : i32
    %scan3A_33 = arith.constant 48 : i32
    %scan3A_34 = arith.addi %scan3A_32, %scan3A_33 : i32
    %scan3A_35 = arith.constant 1 : i32
    scf.for %scan3A_175 = %scan3A_32 to %scan3A_34 step %scan3A_35  : i32 {
      %mul3A_176 = arith.constant 16 : i32
      %mul3A_177 = arith.muli %scan3A_175, %mul3A_176 : i32
      %swap3A = arith.constant 0 : i32
      %swap3A_178 = arith.index_cast %swap3A : i32 to index
      %swap3A_179 = arith.index_cast %mul3A_177 : i32 to index
      %swap3A_180 = tpu.vector_load %arg5[%swap3A_178, %swap3A_179] {strides = array<i32>} : memref<8x2048xf32, #tpu.memory_space<vmem>>, vector<16xf32>,
      tpu.vector_store %arg5[%swap3A_178, %swap3A_179], %broadcast_in_dim3A_31 {strides = array<i32>} : memref<8x2048xf32, #tpu.memory_space<vmem>>, vector<16xf32>,
      %mul3A_181 = arith.constant 16 : i32
      %mul3A_182 = arith.muli %scan3A_175, %mul3A_181 : i32
      %swap3A_183 = arith.constant 1 : i32
      %swap3A_184 = arith.index_cast %swap3A_183 : i32 to index
      %swap3A_185 = arith.index_cast %mul3A_182 : i32 to index
      %swap3A_186 = tpu.vector_load %arg5[%swap3A_184, %swap3A_185] {strides = array<i32>} : memref<8x2048xf32, #tpu.memory_space<vmem>>, vector<16xf32>,
      tpu.vector_store %arg5[%swap3A_184, %swap3A_185], %broadcast_in_dim3A_31 {strides = array<i32>} : memref<8x2048xf32, #tpu.memory_space<vmem>>, vector<16xf32>,
      %mul3A_187 = arith.constant 16 : i32
      %mul3A_188 = arith.muli %scan3A_175, %mul3A_187 : i32
      %swap3A_189 = arith.constant 2 : i32
      %swap3A_190 = arith.index_cast %swap3A_189 : i32 to index
      %swap3A_191 = arith.index_cast %mul3A_188 : i32 to index
      %swap3A_192 = tpu.vector_load %arg5[%swap3A_190, %swap3A_191] {strides = array<i32>} : memref<8x2048xf32, #tpu.memory_space<vmem>>, vector<16xf32>,
      tpu.vector_store %arg5[%swap3A_190, %swap3A_191], %broadcast_in_dim3A_31 {strides = array<i32>} : memref<8x2048xf32, #tpu.memory_space<vmem>>, vector<16xf32>,
      %mul3A_193 = arith.constant 16 : i32
      %mul3A_194 = arith.muli %scan3A_175, %mul3A_193 : i32
      %swap3A_195 = arith.constant 3 : i32
      %swap3A_196 = arith.index_cast %swap3A_195 : i32 to index
      %swap3A_197 = arith.index_cast %mul3A_194 : i32 to index
      %swap3A_198 = tpu.vector_load %arg5[%swap3A_196, %swap3A_197] {strides = array<i32>} : memref<8x2048xf32, #tpu.memory_space<vmem>>, vector<16xf32>,
      tpu.vector_store %arg5[%swap3A_196, %swap3A_197], %broadcast_in_dim3A_31 {strides = array<i32>} : memref<8x2048xf32, #tpu.memory_space<vmem>>, vector<16xf32>,
      %mul3A_199 = arith.constant 16 : i32
      %mul3A_200 = arith.muli %scan3A_175, %mul3A_199 : i32
      %swap3A_201 = arith.constant 4 : i32
      %swap3A_202 = arith.index_cast %swap3A_201 : i32 to index
      %swap3A_203 = arith.index_cast %mul3A_200 : i32 to index
      %swap3A_204 = tpu.vector_load %arg5[%swap3A_202, %swap3A_203] {strides = array<i32>} : memref<8x2048xf32, #tpu.memory_space<vmem>>, vector<16xf32>,
      tpu.vector_store %arg5[%swap3A_202, %swap3A_203], %broadcast_in_dim3A_31 {strides = array<i32>} : memref<8x2048xf32, #tpu.memory_space<vmem>>, vector<16xf32>,
      %mul3A_205 = arith.constant 16 : i32
      %mul3A_206 = arith.muli %scan3A_175, %mul3A_205 : i32
      %swap3A_207 = arith.constant 5 : i32
      %swap3A_208 = arith.index_cast %swap3A_207 : i32 to index
      %swap3A_209 = arith.index_cast %mul3A_206 : i32 to index
      %swap3A_210 = tpu.vector_load %arg5[%swap3A_208, %swap3A_209] {strides = array<i32>} : memref<8x2048xf32, #tpu.memory_space<vmem>>, vector<16xf32>,
      tpu.vector_store %arg5[%swap3A_208, %swap3A_209], %broadcast_in_dim3A_31 {strides = array<i32>} : memref<8x2048xf32, #tpu.memory_space<vmem>>, vector<16xf32>,
      %mul3A_211 = arith.constant 16 : i32
      %mul3A_212 = arith.muli %scan3A_175, %mul3A_211 : i32
      %swap3A_213 = arith.constant 6 : i32
      %swap3A_214 = arith.index_cast %swap3A_213 : i32 to index
      %swap3A_215 = arith.index_cast %mul3A_212 : i32 to index
      %swap3A_216 = tpu.vector_load %arg5[%swap3A_214, %swap3A_215] {strides = array<i32>} : memref<8x2048xf32, #tpu.memory_space<vmem>>, vector<16xf32>,
      tpu.vector_store %arg5[%swap3A_214, %swap3A_215], %broadcast_in_dim3A_31 {strides = array<i32>} : memref<8x2048xf32, #tpu.memory_space<vmem>>, vector<16xf32>,
      %mul3A_217 = arith.constant 16 : i32
      %mul3A_218 = arith.muli %scan3A_175, %mul3A_217 : i32
      %swap3A_219 = arith.constant 7 : i32
      %swap3A_220 = arith.index_cast %swap3A_219 : i32 to index
      %swap3A_221 = arith.index_cast %mul3A_218 : i32 to index
      %swap3A_222 = tpu.vector_load %arg5[%swap3A_220, %swap3A_221] {strides = array<i32>} : memref<8x2048xf32, #tpu.memory_space<vmem>>, vector<16xf32>,
      tpu.vector_store %arg5[%swap3A_220, %swap3A_221], %broadcast_in_dim3A_31 {strides = array<i32>} : memref<8x2048xf32, #tpu.memory_space<vmem>>, vector<16xf32>,
    }
    %scan3A_36 = arith.constant 48 : i32
    %scan3A_37 = arith.constant 0 : i32
    %scan3A_38 = arith.constant 0 : i32
    %scan3A_39 = arith.constant 42 : i32
    %scan3A_40 = arith.addi %scan3A_38, %scan3A_39 : i32
    %scan3A_41 = arith.constant 1 : i32
    scf.for %scan3A_175 = %scan3A_38 to %scan3A_40 step %scan3A_41  : i32 {
      %mul3A_176 = arith.constant 16 : i32
      %mul3A_177 = arith.muli %scan3A_175, %mul3A_176 : i32
      %add3A_178 = arith.constant 1248 : i32
      %add3A_179 = arith.addi %add3A_178, %mul3A_177 : i32
      %swap3A = arith.constant 0 : i32
      %swap3A_180 = arith.index_cast %swap3A : i32 to index
      %swap3A_181 = arith.index_cast %add3A_179 : i32 to index
      %swap3A_182 = tpu.vector_load %arg5[%swap3A_180, %swap3A_181] {strides = array<i32>} : memref<8x2048xf32, #tpu.memory_space<vmem>>, vector<16xf32>,
      tpu.vector_store %arg5[%swap3A_180, %swap3A_181], %broadcast_in_dim3A_31 {strides = array<i32>} : memref<8x2048xf32, #tpu.memory_space<vmem>>, vector<16xf32>,
      %mul3A_183 = arith.constant 16 : i32
      %mul3A_184 = arith.muli %scan3A_175, %mul3A_183 : i32
      %add3A_185 = arith.constant 1248 : i32
      %add3A_186 = arith.addi %add3A_185, %mul3A_184 : i32
      %swap3A_187 = arith.constant 1 : i32
      %swap3A_188 = arith.index_cast %swap3A_187 : i32 to index
      %swap3A_189 = arith.index_cast %add3A_186 : i32 to index
      %swap3A_190 = tpu.vector_load %arg5[%swap3A_188, %swap3A_189] {strides = array<i32>} : memref<8x2048xf32, #tpu.memory_space<vmem>>, vector<16xf32>,
      tpu.vector_store %arg5[%swap3A_188, %swap3A_189], %broadcast_in_dim3A_31 {strides = array<i32>} : memref<8x2048xf32, #tpu.memory_space<vmem>>, vector<16xf32>,
      %mul3A_191 = arith.constant 16 : i32
      %mul3A_192 = arith.muli %scan3A_175, %mul3A_191 : i32
      %add3A_193 = arith.constant 1248 : i32
      %add3A_194 = arith.addi %add3A_193, %mul3A_192 : i32
      %swap3A_195 = arith.constant 2 : i32
      %swap3A_196 = arith.index_cast %swap3A_195 : i32 to index
      %swap3A_197 = arith.index_cast %add3A_194 : i32 to index
      %swap3A_198 = tpu.vector_load %arg5[%swap3A_196, %swap3A_197] {strides = array<i32>} : memref<8x2048xf32, #tpu.memory_space<vmem>>, vector<16xf32>,
      tpu.vector_store %arg5[%swap3A_196, %swap3A_197], %broadcast_in_dim3A_31 {strides = array<i32>} : memref<8x2048xf32, #tpu.memory_space<vmem>>, vector<16xf32>,
      %mul3A_199 = arith.constant 16 : i32
      %mul3A_200 = arith.muli %scan3A_175, %mul3A_199 : i32
      %add3A_201 = arith.constant 1248 : i32
      %add3A_202 = arith.addi %add3A_201, %mul3A_200 : i32
      %swap3A_203 = arith.constant 3 : i32
      %swap3A_204 = arith.index_cast %swap3A_203 : i32 to index
      %swap3A_205 = arith.index_cast %add3A_202 : i32 to index
      %swap3A_206 = tpu.vector_load %arg5[%swap3A_204, %swap3A_205] {strides = array<i32>} : memref<8x2048xf32, #tpu.memory_space<vmem>>, vector<16xf32>,
      tpu.vector_store %arg5[%swap3A_204, %swap3A_205], %broadcast_in_dim3A_31 {strides = array<i32>} : memref<8x2048xf32, #tpu.memory_space<vmem>>, vector<16xf32>,
      %mul3A_207 = arith.constant 16 : i32
      %mul3A_208 = arith.muli %scan3A_175, %mul3A_207 : i32
      %add3A_209 = arith.constant 1248 : i32
      %add3A_210 = arith.addi %add3A_209, %mul3A_208 : i32
      %swap3A_211 = arith.constant 4 : i32
      %swap3A_212 = arith.index_cast %swap3A_211 : i32 to index
      %swap3A_213 = arith.index_cast %add3A_210 : i32 to index
      %swap3A_214 = tpu.vector_load %arg5[%swap3A_212, %swap3A_213] {strides = array<i32>} : memref<8x2048xf32, #tpu.memory_space<vmem>>, vector<16xf32>,
      tpu.vector_store %arg5[%swap3A_212, %swap3A_213], %broadcast_in_dim3A_31 {strides = array<i32>} : memref<8x2048xf32, #tpu.memory_space<vmem>>, vector<16xf32>,
      %mul3A_215 = arith.constant 16 : i32
      %mul3A_216 = arith.muli %scan3A_175, %mul3A_215 : i32
      %add3A_217 = arith.constant 1248 : i32
      %add3A_218 = arith.addi %add3A_217, %mul3A_216 : i32
      %swap3A_219 = arith.constant 5 : i32
      %swap3A_220 = arith.index_cast %swap3A_219 : i32 to index
      %swap3A_221 = arith.index_cast %add3A_218 : i32 to index
      %swap3A_222 = tpu.vector_load %arg5[%swap3A_220, %swap3A_221] {strides = array<i32>} : memref<8x2048xf32, #tpu.memory_space<vmem>>, vector<16xf32>,
      tpu.vector_store %arg5[%swap3A_220, %swap3A_221], %broadcast_in_dim3A_31 {strides = array<i32>} : memref<8x2048xf32, #tpu.memory_space<vmem>>, vector<16xf32>,
      %mul3A_223 = arith.constant 16 : i32
      %mul3A_224 = arith.muli %scan3A_175, %mul3A_223 : i32
      %add3A_225 = arith.constant 1248 : i32
      %add3A_226 = arith.addi %add3A_225, %mul3A_224 : i32
      %swap3A_227 = arith.constant 6 : i32
      %swap3A_228 = arith.index_cast %swap3A_227 : i32 to index
      %swap3A_229 = arith.index_cast %add3A_226 : i32 to index
      %swap3A_230 = tpu.vector_load %arg5[%swap3A_228, %swap3A_229] {strides = array<i32>} : memref<8x2048xf32, #tpu.memory_space<vmem>>, vector<16xf32>,
      tpu.vector_store %arg5[%swap3A_228, %swap3A_229], %broadcast_in_dim3A_31 {strides = array<i32>} : memref<8x2048xf32, #tpu.memory_space<vmem>>, vector<16xf32>,
      %mul3A_231 = arith.constant 16 : i32
      %mul3A_232 = arith.muli %scan3A_175, %mul3A_231 : i32
      %add3A_233 = arith.constant 1248 : i32
      %add3A_234 = arith.addi %add3A_233, %mul3A_232 : i32
      %swap3A_235 = arith.constant 7 : i32
      %swap3A_236 = arith.index_cast %swap3A_235 : i32 to index
      %swap3A_237 = arith.index_cast %add3A_234 : i32 to index
      %swap3A_238 = tpu.vector_load %arg5[%swap3A_236, %swap3A_237] {strides = array<i32>} : memref<8x2048xf32, #tpu.memory_space<vmem>>, vector<16xf32>,
      tpu.vector_store %arg5[%swap3A_236, %swap3A_237], %broadcast_in_dim3A_31 {strides = array<i32>} : memref<8x2048xf32, #tpu.memory_space<vmem>>, vector<16xf32>,
    }
    %scan3A_42 = arith.constant 42 : i32
    %scan3A_43 = arith.constant 0 : i32
    %scan3A_44 = arith.constant 0 : i32
    %scan3A_45 = arith.constant 46 : i32
    %scan3A_46 = arith.addi %scan3A_44, %scan3A_45 : i32
    %scan3A_47 = arith.constant 1 : i32
    scf.for %scan3A_175 = %scan3A_44 to %scan3A_46 step %scan3A_47  : i32 {
      %mul3A_176 = arith.constant 16 : i32
      %mul3A_177 = arith.muli %scan3A_175, %mul3A_176 : i32
      %swap3A = arith.constant 0 : i32
      %swap3A_178 = arith.index_cast %swap3A : i32 to index
      %swap3A_179 = arith.index_cast %mul3A_177 : i32 to index
      %swap3A_180 = tpu.vector_load %arg6[%swap3A_178, %swap3A_179] {strides = array<i32>} : memref<8x2048xf32, #tpu.memory_space<vmem>>, vector<16xf32>,
      tpu.vector_store %arg6[%swap3A_178, %swap3A_179], %broadcast_in_dim3A_31 {strides = array<i32>} : memref<8x2048xf32, #tpu.memory_space<vmem>>, vector<16xf32>,
      %mul3A_181 = arith.constant 16 : i32
      %mul3A_182 = arith.muli %scan3A_175, %mul3A_181 : i32
      %swap3A_183 = arith.constant 1 : i32
      %swap3A_184 = arith.index_cast %swap3A_183 : i32 to index
      %swap3A_185 = arith.index_cast %mul3A_182 : i32 to index
      %swap3A_186 = tpu.vector_load %arg6[%swap3A_184, %swap3A_185] {strides = array<i32>} : memref<8x2048xf32, #tpu.memory_space<vmem>>, vector<16xf32>,
      tpu.vector_store %arg6[%swap3A_184, %swap3A_185], %broadcast_in_dim3A_31 {strides = array<i32>} : memref<8x2048xf32, #tpu.memory_space<vmem>>, vector<16xf32>,
      %mul3A_187 = arith.constant 16 : i32
      %mul3A_188 = arith.muli %scan3A_175, %mul3A_187 : i32
      %swap3A_189 = arith.constant 2 : i32
      %swap3A_190 = arith.index_cast %swap3A_189 : i32 to index
      %swap3A_191 = arith.index_cast %mul3A_188 : i32 to index
      %swap3A_192 = tpu.vector_load %arg6[%swap3A_190, %swap3A_191] {strides = array<i32>} : memref<8x2048xf32, #tpu.memory_space<vmem>>, vector<16xf32>,
      tpu.vector_store %arg6[%swap3A_190, %swap3A_191], %broadcast_in_dim3A_31 {strides = array<i32>} : memref<8x2048xf32, #tpu.memory_space<vmem>>, vector<16xf32>,
      %mul3A_193 = arith.constant 16 : i32
      %mul3A_194 = arith.muli %scan3A_175, %mul3A_193 : i32
      %swap3A_195 = arith.constant 3 : i32
      %swap3A_196 = arith.index_cast %swap3A_195 : i32 to index
      %swap3A_197 = arith.index_cast %mul3A_194 : i32 to index
      %swap3A_198 = tpu.vector_load %arg6[%swap3A_196, %swap3A_197] {strides = array<i32>} : memref<8x2048xf32, #tpu.memory_space<vmem>>, vector<16xf32>,
      tpu.vector_store %arg6[%swap3A_196, %swap3A_197], %broadcast_in_dim3A_31 {strides = array<i32>} : memref<8x2048xf32, #tpu.memory_space<vmem>>, vector<16xf32>,
      %mul3A_199 = arith.constant 16 : i32
      %mul3A_200 = arith.muli %scan3A_175, %mul3A_199 : i32
      %swap3A_201 = arith.constant 4 : i32
      %swap3A_202 = arith.index_cast %swap3A_201 : i32 to index
      %swap3A_203 = arith.index_cast %mul3A_200 : i32 to index
      %swap3A_204 = tpu.vector_load %arg6[%swap3A_202, %swap3A_203] {strides = array<i32>} : memref<8x2048xf32, #tpu.memory_space<vmem>>, vector<16xf32>,
      tpu.vector_store %arg6[%swap3A_202, %swap3A_203], %broadcast_in_dim3A_31 {strides = array<i32>} : memref<8x2048xf32, #tpu.memory_space<vmem>>, vector<16xf32>,
      %mul3A_205 = arith.constant 16 : i32
      %mul3A_206 = arith.muli %scan3A_175, %mul3A_205 : i32
      %swap3A_207 = arith.constant 5 : i32
      %swap3A_208 = arith.index_cast %swap3A_207 : i32 to index
      %swap3A_209 = arith.index_cast %mul3A_206 : i32 to index
      %swap3A_210 = tpu.vector_load %arg6[%swap3A_208, %swap3A_209] {strides = array<i32>} : memref<8x2048xf32, #tpu.memory_space<vmem>>, vector<16xf32>,
      tpu.vector_store %arg6[%swap3A_208, %swap3A_209], %broadcast_in_dim3A_31 {strides = array<i32>} : memref<8x2048xf32, #tpu.memory_space<vmem>>, vector<16xf32>,
      %mul3A_211 = arith.constant 16 : i32
      %mul3A_212 = arith.muli %scan3A_175, %mul3A_211 : i32
      %swap3A_213 = arith.constant 6 : i32
      %swap3A_214 = arith.index_cast %swap3A_213 : i32 to index
      %swap3A_215 = arith.index_cast %mul3A_212 : i32 to index
      %swap3A_216 = tpu.vector_load %arg6[%swap3A_214, %swap3A_215] {strides = array<i32>} : memref<8x2048xf32, #tpu.memory_space<vmem>>, vector<16xf32>,
      tpu.vector_store %arg6[%swap3A_214, %swap3A_215], %broadcast_in_dim3A_31 {strides = array<i32>} : memref<8x2048xf32, #tpu.memory_space<vmem>>, vector<16xf32>,
      %mul3A_217 = arith.constant 16 : i32
      %mul3A_218 = arith.muli %scan3A_175, %mul3A_217 : i32
      %swap3A_219 = arith.constant 7 : i32
      %swap3A_220 = arith.index_cast %swap3A_219 : i32 to index
      %swap3A_221 = arith.index_cast %mul3A_218 : i32 to index
      %swap3A_222 = tpu.vector_load %arg6[%swap3A_220, %swap3A_221] {strides = array<i32>} : memref<8x2048xf32, #tpu.memory_space<vmem>>, vector<16xf32>,
      tpu.vector_store %arg6[%swap3A_220, %swap3A_221], %broadcast_in_dim3A_31 {strides = array<i32>} : memref<8x2048xf32, #tpu.memory_space<vmem>>, vector<16xf32>,
    }
    %scan3A_48 = arith.constant 46 : i32
    %scan3A_49 = arith.constant 0 : i32
    %scan3A_50 = arith.constant 0 : i32
    %scan3A_51 = arith.constant 44 : i32
    %scan3A_52 = arith.addi %scan3A_50, %scan3A_51 : i32
    %scan3A_53 = arith.constant 1 : i32
    scf.for %scan3A_175 = %scan3A_50 to %scan3A_52 step %scan3A_53  : i32 {
      %mul3A_176 = arith.constant 16 : i32
      %mul3A_177 = arith.muli %scan3A_175, %mul3A_176 : i32
      %add3A_178 = arith.constant 1216 : i32
      %add3A_179 = arith.addi %add3A_178, %mul3A_177 : i32
      %swap3A = arith.constant 0 : i32
      %swap3A_180 = arith.index_cast %swap3A : i32 to index
      %swap3A_181 = arith.index_cast %add3A_179 : i32 to index
      %swap3A_182 = tpu.vector_load %arg6[%swap3A_180, %swap3A_181] {strides = array<i32>} : memref<8x2048xf32, #tpu.memory_space<vmem>>, vector<16xf32>,
      tpu.vector_store %arg6[%swap3A_180, %swap3A_181], %broadcast_in_dim3A_31 {strides = array<i32>} : memref<8x2048xf32, #tpu.memory_space<vmem>>, vector<16xf32>,
      %mul3A_183 = arith.constant 16 : i32
      %mul3A_184 = arith.muli %scan3A_175, %mul3A_183 : i32
      %add3A_185 = arith.constant 1216 : i32
      %add3A_186 = arith.addi %add3A_185, %mul3A_184 : i32
      %swap3A_187 = arith.constant 1 : i32
      %swap3A_188 = arith.index_cast %swap3A_187 : i32 to index
      %swap3A_189 = arith.index_cast %add3A_186 : i32 to index
      %swap3A_190 = tpu.vector_load %arg6[%swap3A_188, %swap3A_189] {strides = array<i32>} : memref<8x2048xf32, #tpu.memory_space<vmem>>, vector<16xf32>,
      tpu.vector_store %arg6[%swap3A_188, %swap3A_189], %broadcast_in_dim3A_31 {strides = array<i32>} : memref<8x2048xf32, #tpu.memory_space<vmem>>, vector<16xf32>,
      %mul3A_191 = arith.constant 16 : i32
      %mul3A_192 = arith.muli %scan3A_175, %mul3A_191 : i32
      %add3A_193 = arith.constant 1216 : i32
      %add3A_194 = arith.addi %add3A_193, %mul3A_192 : i32
      %swap3A_195 = arith.constant 2 : i32
      %swap3A_196 = arith.index_cast %swap3A_195 : i32 to index
      %swap3A_197 = arith.index_cast %add3A_194 : i32 to index
      %swap3A_198 = tpu.vector_load %arg6[%swap3A_196, %swap3A_197] {strides = array<i32>} : memref<8x2048xf32, #tpu.memory_space<vmem>>, vector<16xf32>,
      tpu.vector_store %arg6[%swap3A_196, %swap3A_197], %broadcast_in_dim3A_31 {strides = array<i32>} : memref<8x2048xf32, #tpu.memory_space<vmem>>, vector<16xf32>,
      %mul3A_199 = arith.constant 16 : i32
      %mul3A_200 = arith.muli %scan3A_175, %mul3A_199 : i32
      %add3A_201 = arith.constant 1216 : i32
      %add3A_202 = arith.addi %add3A_201, %mul3A_200 : i32
      %swap3A_203 = arith.constant 3 : i32
      %swap3A_204 = arith.index_cast %swap3A_203 : i32 to index
      %swap3A_205 = arith.index_cast %add3A_202 : i32 to index
      %swap3A_206 = tpu.vector_load %arg6[%swap3A_204, %swap3A_205] {strides = array<i32>} : memref<8x2048xf32, #tpu.memory_space<vmem>>, vector<16xf32>,
      tpu.vector_store %arg6[%swap3A_204, %swap3A_205], %broadcast_in_dim3A_31 {strides = array<i32>} : memref<8x2048xf32, #tpu.memory_space<vmem>>, vector<16xf32>,
      %mul3A_207 = arith.constant 16 : i32
      %mul3A_208 = arith.muli %scan3A_175, %mul3A_207 : i32
      %add3A_209 = arith.constant 1216 : i32
      %add3A_210 = arith.addi %add3A_209, %mul3A_208 : i32
      %swap3A_211 = arith.constant 4 : i32
      %swap3A_212 = arith.index_cast %swap3A_211 : i32 to index
      %swap3A_213 = arith.index_cast %add3A_210 : i32 to index
      %swap3A_214 = tpu.vector_load %arg6[%swap3A_212, %swap3A_213] {strides = array<i32>} : memref<8x2048xf32, #tpu.memory_space<vmem>>, vector<16xf32>,
      tpu.vector_store %arg6[%swap3A_212, %swap3A_213], %broadcast_in_dim3A_31 {strides = array<i32>} : memref<8x2048xf32, #tpu.memory_space<vmem>>, vector<16xf32>,
      %mul3A_215 = arith.constant 16 : i32
      %mul3A_216 = arith.muli %scan3A_175, %mul3A_215 : i32
      %add3A_217 = arith.constant 1216 : i32
      %add3A_218 = arith.addi %add3A_217, %mul3A_216 : i32
      %swap3A_219 = arith.constant 5 : i32
      %swap3A_220 = arith.index_cast %swap3A_219 : i32 to index
      %swap3A_221 = arith.index_cast %add3A_218 : i32 to index
      %swap3A_222 = tpu.vector_load %arg6[%swap3A_220, %swap3A_221] {strides = array<i32>} : memref<8x2048xf32, #tpu.memory_space<vmem>>, vector<16xf32>,
      tpu.vector_store %arg6[%swap3A_220, %swap3A_221], %broadcast_in_dim3A_31 {strides = array<i32>} : memref<8x2048xf32, #tpu.memory_space<vmem>>, vector<16xf32>,
      %mul3A_223 = arith.constant 16 : i32
      %mul3A_224 = arith.muli %scan3A_175, %mul3A_223 : i32
      %add3A_225 = arith.constant 1216 : i32
      %add3A_226 = arith.addi %add3A_225, %mul3A_224 : i32
      %swap3A_227 = arith.constant 6 : i32
      %swap3A_228 = arith.index_cast %swap3A_227 : i32 to index
      %swap3A_229 = arith.index_cast %add3A_226 : i32 to index
      %swap3A_230 = tpu.vector_load %arg6[%swap3A_228, %swap3A_229] {strides = array<i32>} : memref<8x2048xf32, #tpu.memory_space<vmem>>, vector<16xf32>,
      tpu.vector_store %arg6[%swap3A_228, %swap3A_229], %broadcast_in_dim3A_31 {strides = array<i32>} : memref<8x2048xf32, #tpu.memory_space<vmem>>, vector<16xf32>,
      %mul3A_231 = arith.constant 16 : i32
      %mul3A_232 = arith.muli %scan3A_175, %mul3A_231 : i32
      %add3A_233 = arith.constant 1216 : i32
      %add3A_234 = arith.addi %add3A_233, %mul3A_232 : i32
      %swap3A_235 = arith.constant 7 : i32
      %swap3A_236 = arith.index_cast %swap3A_235 : i32 to index
      %swap3A_237 = arith.index_cast %add3A_234 : i32 to index
      %swap3A_238 = tpu.vector_load %arg6[%swap3A_236, %swap3A_237] {strides = array<i32>} : memref<8x2048xf32, #tpu.memory_space<vmem>>, vector<16xf32>,
      tpu.vector_store %arg6[%swap3A_236, %swap3A_237], %broadcast_in_dim3A_31 {strides = array<i32>} : memref<8x2048xf32, #tpu.memory_space<vmem>>, vector<16xf32>,
    }
    %scan3A_54 = arith.constant 44 : i32
    %scan3A_55 = arith.constant 0 : i32
    %scan3A_56 = arith.constant 0 : i32
    %scan3A_57 = arith.constant 44 : i32
    %scan3A_58 = arith.addi %scan3A_56, %scan3A_57 : i32
    %scan3A_59 = arith.constant 1 : i32
    scf.for %scan3A_175 = %scan3A_56 to %scan3A_58 step %scan3A_59  : i32 {
      %mul3A_176 = arith.constant 16 : i32
      %mul3A_177 = arith.muli %scan3A_175, %mul3A_176 : i32
      %swap3A = arith.constant 0 : i32
      %swap3A_178 = arith.index_cast %swap3A : i32 to index
      %swap3A_179 = arith.index_cast %mul3A_177 : i32 to index
      %swap3A_180 = tpu.vector_load %arg7[%swap3A_178, %swap3A_179] {strides = array<i32>} : memref<8x2048xf32, #tpu.memory_space<vmem>>, vector<16xf32>,
      tpu.vector_store %arg7[%swap3A_178, %swap3A_179], %broadcast_in_dim3A_31 {strides = array<i32>} : memref<8x2048xf32, #tpu.memory_space<vmem>>, vector<16xf32>,
      %mul3A_181 = arith.constant 16 : i32
      %mul3A_182 = arith.muli %scan3A_175, %mul3A_181 : i32
      %swap3A_183 = arith.constant 1 : i32
      %swap3A_184 = arith.index_cast %swap3A_183 : i32 to index
      %swap3A_185 = arith.index_cast %mul3A_182 : i32 to index
      %swap3A_186 = tpu.vector_load %arg7[%swap3A_184, %swap3A_185] {strides = array<i32>} : memref<8x2048xf32, #tpu.memory_space<vmem>>, vector<16xf32>,
      tpu.vector_store %arg7[%swap3A_184, %swap3A_185], %broadcast_in_dim3A_31 {strides = array<i32>} : memref<8x2048xf32, #tpu.memory_space<vmem>>, vector<16xf32>,
      %mul3A_187 = arith.constant 16 : i32
      %mul3A_188 = arith.muli %scan3A_175, %mul3A_187 : i32
      %swap3A_189 = arith.constant 2 : i32
      %swap3A_190 = arith.index_cast %swap3A_189 : i32 to index
      %swap3A_191 = arith.index_cast %mul3A_188 : i32 to index
      %swap3A_192 = tpu.vector_load %arg7[%swap3A_190, %swap3A_191] {strides = array<i32>} : memref<8x2048xf32, #tpu.memory_space<vmem>>, vector<16xf32>,
      tpu.vector_store %arg7[%swap3A_190, %swap3A_191], %broadcast_in_dim3A_31 {strides = array<i32>} : memref<8x2048xf32, #tpu.memory_space<vmem>>, vector<16xf32>,
      %mul3A_193 = arith.constant 16 : i32
      %mul3A_194 = arith.muli %scan3A_175, %mul3A_193 : i32
      %swap3A_195 = arith.constant 3 : i32
      %swap3A_196 = arith.index_cast %swap3A_195 : i32 to index
      %swap3A_197 = arith.index_cast %mul3A_194 : i32 to index
      %swap3A_198 = tpu.vector_load %arg7[%swap3A_196, %swap3A_197] {strides = array<i32>} : memref<8x2048xf32, #tpu.memory_space<vmem>>, vector<16xf32>,
      tpu.vector_store %arg7[%swap3A_196, %swap3A_197], %broadcast_in_dim3A_31 {strides = array<i32>} : memref<8x2048xf32, #tpu.memory_space<vmem>>, vector<16xf32>,
      %mul3A_199 = arith.constant 16 : i32
      %mul3A_200 = arith.muli %scan3A_175, %mul3A_199 : i32
      %swap3A_201 = arith.constant 4 : i32
      %swap3A_202 = arith.index_cast %swap3A_201 : i32 to index
      %swap3A_203 = arith.index_cast %mul3A_200 : i32 to index
      %swap3A_204 = tpu.vector_load %arg7[%swap3A_202, %swap3A_203] {strides = array<i32>} : memref<8x2048xf32, #tpu.memory_space<vmem>>, vector<16xf32>,
      tpu.vector_store %arg7[%swap3A_202, %swap3A_203], %broadcast_in_dim3A_31 {strides = array<i32>} : memref<8x2048xf32, #tpu.memory_space<vmem>>, vector<16xf32>,
      %mul3A_205 = arith.constant 16 : i32
      %mul3A_206 = arith.muli %scan3A_175, %mul3A_205 : i32
      %swap3A_207 = arith.constant 5 : i32
      %swap3A_208 = arith.index_cast %swap3A_207 : i32 to index
      %swap3A_209 = arith.index_cast %mul3A_206 : i32 to index
      %swap3A_210 = tpu.vector_load %arg7[%swap3A_208, %swap3A_209] {strides = array<i32>} : memref<8x2048xf32, #tpu.memory_space<vmem>>, vector<16xf32>,
      tpu.vector_store %arg7[%swap3A_208, %swap3A_209], %broadcast_in_dim3A_31 {strides = array<i32>} : memref<8x2048xf32, #tpu.memory_space<vmem>>, vector<16xf32>,
      %mul3A_211 = arith.constant 16 : i32
      %mul3A_212 = arith.muli %scan3A_175, %mul3A_211 : i32
      %swap3A_213 = arith.constant 6 : i32
      %swap3A_214 = arith.index_cast %swap3A_213 : i32 to index
      %swap3A_215 = arith.index_cast %mul3A_212 : i32 to index
      %swap3A_216 = tpu.vector_load %arg7[%swap3A_214, %swap3A_215] {strides = array<i32>} : memref<8x2048xf32, #tpu.memory_space<vmem>>, vector<16xf32>,
      tpu.vector_store %arg7[%swap3A_214, %swap3A_215], %broadcast_in_dim3A_31 {strides = array<i32>} : memref<8x2048xf32, #tpu.memory_space<vmem>>, vector<16xf32>,
      %mul3A_217 = arith.constant 16 : i32
      %mul3A_218 = arith.muli %scan3A_175, %mul3A_217 : i32
      %swap3A_219 = arith.constant 7 : i32
      %swap3A_220 = arith.index_cast %swap3A_219 : i32 to index
      %swap3A_221 = arith.index_cast %mul3A_218 : i32 to index
      %swap3A_222 = tpu.vector_load %arg7[%swap3A_220, %swap3A_221] {strides = array<i32>} : memref<8x2048xf32, #tpu.memory_space<vmem>>, vector<16xf32>,
      tpu.vector_store %arg7[%swap3A_220, %swap3A_221], %broadcast_in_dim3A_31 {strides = array<i32>} : memref<8x2048xf32, #tpu.memory_space<vmem>>, vector<16xf32>,
    }
    %scan3A_60 = arith.constant 44 : i32
    %scan3A_61 = arith.constant 0 : i32
    %scan3A_62 = arith.constant 0 : i32
    %scan3A_63 = arith.constant 46 : i32
    %scan3A_64 = arith.addi %scan3A_62, %scan3A_63 : i32
    %scan3A_65 = arith.constant 1 : i32
    scf.for %scan3A_175 = %scan3A_62 to %scan3A_64 step %scan3A_65  : i32 {
      %mul3A_176 = arith.constant 16 : i32
      %mul3A_177 = arith.muli %scan3A_175, %mul3A_176 : i32
      %add3A_178 = arith.constant 1184 : i32
      %add3A_179 = arith.addi %add3A_178, %mul3A_177 : i32
      %swap3A = arith.constant 0 : i32
      %swap3A_180 = arith.index_cast %swap3A : i32 to index
      %swap3A_181 = arith.index_cast %add3A_179 : i32 to index
      %swap3A_182 = tpu.vector_load %arg7[%swap3A_180, %swap3A_181] {strides = array<i32>} : memref<8x2048xf32, #tpu.memory_space<vmem>>, vector<16xf32>,
      tpu.vector_store %arg7[%swap3A_180, %swap3A_181], %broadcast_in_dim3A_31 {strides = array<i32>} : memref<8x2048xf32, #tpu.memory_space<vmem>>, vector<16xf32>,
      %mul3A_183 = arith.constant 16 : i32
      %mul3A_184 = arith.muli %scan3A_175, %mul3A_183 : i32
      %add3A_185 = arith.constant 1184 : i32
      %add3A_186 = arith.addi %add3A_185, %mul3A_184 : i32
      %swap3A_187 = arith.constant 1 : i32
      %swap3A_188 = arith.index_cast %swap3A_187 : i32 to index
      %swap3A_189 = arith.index_cast %add3A_186 : i32 to index
      %swap3A_190 = tpu.vector_load %arg7[%swap3A_188, %swap3A_189] {strides = array<i32>} : memref<8x2048xf32, #tpu.memory_space<vmem>>, vector<16xf32>,
      tpu.vector_store %arg7[%swap3A_188, %swap3A_189], %broadcast_in_dim3A_31 {strides = array<i32>} : memref<8x2048xf32, #tpu.memory_space<vmem>>, vector<16xf32>,
      %mul3A_191 = arith.constant 16 : i32
      %mul3A_192 = arith.muli %scan3A_175, %mul3A_191 : i32
      %add3A_193 = arith.constant 1184 : i32
      %add3A_194 = arith.addi %add3A_193, %mul3A_192 : i32
      %swap3A_195 = arith.constant 2 : i32
      %swap3A_196 = arith.index_cast %swap3A_195 : i32 to index
      %swap3A_197 = arith.index_cast %add3A_194 : i32 to index
      %swap3A_198 = tpu.vector_load %arg7[%swap3A_196, %swap3A_197] {strides = array<i32>} : memref<8x2048xf32, #tpu.memory_space<vmem>>, vector<16xf32>,
      tpu.vector_store %arg7[%swap3A_196, %swap3A_197], %broadcast_in_dim3A_31 {strides = array<i32>} : memref<8x2048xf32, #tpu.memory_space<vmem>>, vector<16xf32>,
      %mul3A_199 = arith.constant 16 : i32
      %mul3A_200 = arith.muli %scan3A_175, %mul3A_199 : i32
      %add3A_201 = arith.constant 1184 : i32
      %add3A_202 = arith.addi %add3A_201, %mul3A_200 : i32
      %swap3A_203 = arith.constant 3 : i32
      %swap3A_204 = arith.index_cast %swap3A_203 : i32 to index
      %swap3A_205 = arith.index_cast %add3A_202 : i32 to index
      %swap3A_206 = tpu.vector_load %arg7[%swap3A_204, %swap3A_205] {strides = array<i32>} : memref<8x2048xf32, #tpu.memory_space<vmem>>, vector<16xf32>,
      tpu.vector_store %arg7[%swap3A_204, %swap3A_205], %broadcast_in_dim3A_31 {strides = array<i32>} : memref<8x2048xf32, #tpu.memory_space<vmem>>, vector<16xf32>,
      %mul3A_207 = arith.constant 16 : i32
      %mul3A_208 = arith.muli %scan3A_175, %mul3A_207 : i32
      %add3A_209 = arith.constant 1184 : i32
      %add3A_210 = arith.addi %add3A_209, %mul3A_208 : i32
      %swap3A_211 = arith.constant 4 : i32
      %swap3A_212 = arith.index_cast %swap3A_211 : i32 to index
      %swap3A_213 = arith.index_cast %add3A_210 : i32 to index
      %swap3A_214 = tpu.vector_load %arg7[%swap3A_212, %swap3A_213] {strides = array<i32>} : memref<8x2048xf32, #tpu.memory_space<vmem>>, vector<16xf32>,
      tpu.vector_store %arg7[%swap3A_212, %swap3A_213], %broadcast_in_dim3A_31 {strides = array<i32>} : memref<8x2048xf32, #tpu.memory_space<vmem>>, vector<16xf32>,
      %mul3A_215 = arith.constant 16 : i32
      %mul3A_216 = arith.muli %scan3A_175, %mul3A_215 : i32
      %add3A_217 = arith.constant 1184 : i32
      %add3A_218 = arith.addi %add3A_217, %mul3A_216 : i32
      %swap3A_219 = arith.constant 5 : i32
      %swap3A_220 = arith.index_cast %swap3A_219 : i32 to index
      %swap3A_221 = arith.index_cast %add3A_218 : i32 to index
      %swap3A_222 = tpu.vector_load %arg7[%swap3A_220, %swap3A_221] {strides = array<i32>} : memref<8x2048xf32, #tpu.memory_space<vmem>>, vector<16xf32>,
      tpu.vector_store %arg7[%swap3A_220, %swap3A_221], %broadcast_in_dim3A_31 {strides = array<i32>} : memref<8x2048xf32, #tpu.memory_space<vmem>>, vector<16xf32>,
      %mul3A_223 = arith.constant 16 : i32
      %mul3A_224 = arith.muli %scan3A_175, %mul3A_223 : i32
      %add3A_225 = arith.constant 1184 : i32
      %add3A_226 = arith.addi %add3A_225, %mul3A_224 : i32
      %swap3A_227 = arith.constant 6 : i32
      %swap3A_228 = arith.index_cast %swap3A_227 : i32 to index
      %swap3A_229 = arith.index_cast %add3A_226 : i32 to index
      %swap3A_230 = tpu.vector_load %arg7[%swap3A_228, %swap3A_229] {strides = array<i32>} : memref<8x2048xf32, #tpu.memory_space<vmem>>, vector<16xf32>,
      tpu.vector_store %arg7[%swap3A_228, %swap3A_229], %broadcast_in_dim3A_31 {strides = array<i32>} : memref<8x2048xf32, #tpu.memory_space<vmem>>, vector<16xf32>,
      %mul3A_231 = arith.constant 16 : i32
      %mul3A_232 = arith.muli %scan3A_175, %mul3A_231 : i32
      %add3A_233 = arith.constant 1184 : i32
      %add3A_234 = arith.addi %add3A_233, %mul3A_232 : i32
      %swap3A_235 = arith.constant 7 : i32
      %swap3A_236 = arith.index_cast %swap3A_235 : i32 to index
      %swap3A_237 = arith.index_cast %add3A_234 : i32 to index
      %swap3A_238 = tpu.vector_load %arg7[%swap3A_236, %swap3A_237] {strides = array<i32>} : memref<8x2048xf32, #tpu.memory_space<vmem>>, vector<16xf32>,
      tpu.vector_store %arg7[%swap3A_236, %swap3A_237], %broadcast_in_dim3A_31 {strides = array<i32>} : memref<8x2048xf32, #tpu.memory_space<vmem>>, vector<16xf32>,
    }
    %scan3A_66 = arith.constant 46 : i32
    %scan3A_67 = arith.constant 0 : i32
    %scan3A_68 = arith.constant 0 : i32
    %scan3A_69 = arith.constant 42 : i32
    %scan3A_70 = arith.addi %scan3A_68, %scan3A_69 : i32
    %scan3A_71 = arith.constant 1 : i32
    scf.for %scan3A_175 = %scan3A_68 to %scan3A_70 step %scan3A_71  : i32 {
      %mul3A_176 = arith.constant 16 : i32
      %mul3A_177 = arith.muli %scan3A_175, %mul3A_176 : i32
      %swap3A = arith.constant 0 : i32
      %swap3A_178 = arith.index_cast %swap3A : i32 to index
      %swap3A_179 = arith.index_cast %mul3A_177 : i32 to index
      %swap3A_180 = tpu.vector_load %arg8[%swap3A_178, %swap3A_179] {strides = array<i32>} : memref<8x2048xf32, #tpu.memory_space<vmem>>, vector<16xf32>,
      tpu.vector_store %arg8[%swap3A_178, %swap3A_179], %broadcast_in_dim3A_31 {strides = array<i32>} : memref<8x2048xf32, #tpu.memory_space<vmem>>, vector<16xf32>,
      %mul3A_181 = arith.constant 16 : i32
      %mul3A_182 = arith.muli %scan3A_175, %mul3A_181 : i32
      %swap3A_183 = arith.constant 1 : i32
      %swap3A_184 = arith.index_cast %swap3A_183 : i32 to index
      %swap3A_185 = arith.index_cast %mul3A_182 : i32 to index
      %swap3A_186 = tpu.vector_load %arg8[%swap3A_184, %swap3A_185] {strides = array<i32>} : memref<8x2048xf32, #tpu.memory_space<vmem>>, vector<16xf32>,
      tpu.vector_store %arg8[%swap3A_184, %swap3A_185], %broadcast_in_dim3A_31 {strides = array<i32>} : memref<8x2048xf32, #tpu.memory_space<vmem>>, vector<16xf32>,
      %mul3A_187 = arith.constant 16 : i32
      %mul3A_188 = arith.muli %scan3A_175, %mul3A_187 : i32
      %swap3A_189 = arith.constant 2 : i32
      %swap3A_190 = arith.index_cast %swap3A_189 : i32 to index
      %swap3A_191 = arith.index_cast %mul3A_188 : i32 to index
      %swap3A_192 = tpu.vector_load %arg8[%swap3A_190, %swap3A_191] {strides = array<i32>} : memref<8x2048xf32, #tpu.memory_space<vmem>>, vector<16xf32>,
      tpu.vector_store %arg8[%swap3A_190, %swap3A_191], %broadcast_in_dim3A_31 {strides = array<i32>} : memref<8x2048xf32, #tpu.memory_space<vmem>>, vector<16xf32>,
      %mul3A_193 = arith.constant 16 : i32
      %mul3A_194 = arith.muli %scan3A_175, %mul3A_193 : i32
      %swap3A_195 = arith.constant 3 : i32
      %swap3A_196 = arith.index_cast %swap3A_195 : i32 to index
      %swap3A_197 = arith.index_cast %mul3A_194 : i32 to index
      %swap3A_198 = tpu.vector_load %arg8[%swap3A_196, %swap3A_197] {strides = array<i32>} : memref<8x2048xf32, #tpu.memory_space<vmem>>, vector<16xf32>,
      tpu.vector_store %arg8[%swap3A_196, %swap3A_197], %broadcast_in_dim3A_31 {strides = array<i32>} : memref<8x2048xf32, #tpu.memory_space<vmem>>, vector<16xf32>,
      %mul3A_199 = arith.constant 16 : i32
      %mul3A_200 = arith.muli %scan3A_175, %mul3A_199 : i32
      %swap3A_201 = arith.constant 4 : i32
      %swap3A_202 = arith.index_cast %swap3A_201 : i32 to index
      %swap3A_203 = arith.index_cast %mul3A_200 : i32 to index
      %swap3A_204 = tpu.vector_load %arg8[%swap3A_202, %swap3A_203] {strides = array<i32>} : memref<8x2048xf32, #tpu.memory_space<vmem>>, vector<16xf32>,
      tpu.vector_store %arg8[%swap3A_202, %swap3A_203], %broadcast_in_dim3A_31 {strides = array<i32>} : memref<8x2048xf32, #tpu.memory_space<vmem>>, vector<16xf32>,
      %mul3A_205 = arith.constant 16 : i32
      %mul3A_206 = arith.muli %scan3A_175, %mul3A_205 : i32
      %swap3A_207 = arith.constant 5 : i32
      %swap3A_208 = arith.index_cast %swap3A_207 : i32 to index
      %swap3A_209 = arith.index_cast %mul3A_206 : i32 to index
      %swap3A_210 = tpu.vector_load %arg8[%swap3A_208, %swap3A_209] {strides = array<i32>} : memref<8x2048xf32, #tpu.memory_space<vmem>>, vector<16xf32>,
      tpu.vector_store %arg8[%swap3A_208, %swap3A_209], %broadcast_in_dim3A_31 {strides = array<i32>} : memref<8x2048xf32, #tpu.memory_space<vmem>>, vector<16xf32>,
      %mul3A_211 = arith.constant 16 : i32
      %mul3A_212 = arith.muli %scan3A_175, %mul3A_211 : i32
      %swap3A_213 = arith.constant 6 : i32
      %swap3A_214 = arith.index_cast %swap3A_213 : i32 to index
      %swap3A_215 = arith.index_cast %mul3A_212 : i32 to index
      %swap3A_216 = tpu.vector_load %arg8[%swap3A_214, %swap3A_215] {strides = array<i32>} : memref<8x2048xf32, #tpu.memory_space<vmem>>, vector<16xf32>,
      tpu.vector_store %arg8[%swap3A_214, %swap3A_215], %broadcast_in_dim3A_31 {strides = array<i32>} : memref<8x2048xf32, #tpu.memory_space<vmem>>, vector<16xf32>,
      %mul3A_217 = arith.constant 16 : i32
      %mul3A_218 = arith.muli %scan3A_175, %mul3A_217 : i32
      %swap3A_219 = arith.constant 7 : i32
      %swap3A_220 = arith.index_cast %swap3A_219 : i32 to index
      %swap3A_221 = arith.index_cast %mul3A_218 : i32 to index
      %swap3A_222 = tpu.vector_load %arg8[%swap3A_220, %swap3A_221] {strides = array<i32>} : memref<8x2048xf32, #tpu.memory_space<vmem>>, vector<16xf32>,
      tpu.vector_store %arg8[%swap3A_220, %swap3A_221], %broadcast_in_dim3A_31 {strides = array<i32>} : memref<8x2048xf32, #tpu.memory_space<vmem>>, vector<16xf32>,
    }
    %scan3A_72 = arith.constant 42 : i32
    %scan3A_73 = arith.constant 0 : i32
    %scan3A_74 = arith.constant 0 : i32
    %scan3A_75 = arith.constant 48 : i32
    %scan3A_76 = arith.addi %scan3A_74, %scan3A_75 : i32
    %scan3A_77 = arith.constant 1 : i32
    scf.for %scan3A_175 = %scan3A_74 to %scan3A_76 step %scan3A_77  : i32 {
      %mul3A_176 = arith.constant 16 : i32
      %mul3A_177 = arith.muli %scan3A_175, %mul3A_176 : i32
      %add3A_178 = arith.constant 1152 : i32
      %add3A_179 = arith.addi %add3A_178, %mul3A_177 : i32
      %swap3A = arith.constant 0 : i32
      %swap3A_180 = arith.index_cast %swap3A : i32 to index
      %swap3A_181 = arith.index_cast %add3A_179 : i32 to index
      %swap3A_182 = tpu.vector_load %arg8[%swap3A_180, %swap3A_181] {strides = array<i32>} : memref<8x2048xf32, #tpu.memory_space<vmem>>, vector<16xf32>,
      tpu.vector_store %arg8[%swap3A_180, %swap3A_181], %broadcast_in_dim3A_31 {strides = array<i32>} : memref<8x2048xf32, #tpu.memory_space<vmem>>, vector<16xf32>,
      %mul3A_183 = arith.constant 16 : i32
      %mul3A_184 = arith.muli %scan3A_175, %mul3A_183 : i32
      %add3A_185 = arith.constant 1152 : i32
      %add3A_186 = arith.addi %add3A_185, %mul3A_184 : i32
      %swap3A_187 = arith.constant 1 : i32
      %swap3A_188 = arith.index_cast %swap3A_187 : i32 to index
      %swap3A_189 = arith.index_cast %add3A_186 : i32 to index
      %swap3A_190 = tpu.vector_load %arg8[%swap3A_188, %swap3A_189] {strides = array<i32>} : memref<8x2048xf32, #tpu.memory_space<vmem>>, vector<16xf32>,
      tpu.vector_store %arg8[%swap3A_188, %swap3A_189], %broadcast_in_dim3A_31 {strides = array<i32>} : memref<8x2048xf32, #tpu.memory_space<vmem>>, vector<16xf32>,
      %mul3A_191 = arith.constant 16 : i32
      %mul3A_192 = arith.muli %scan3A_175, %mul3A_191 : i32
      %add3A_193 = arith.constant 1152 : i32
      %add3A_194 = arith.addi %add3A_193, %mul3A_192 : i32
      %swap3A_195 = arith.constant 2 : i32
      %swap3A_196 = arith.index_cast %swap3A_195 : i32 to index
      %swap3A_197 = arith.index_cast %add3A_194 : i32 to index
      %swap3A_198 = tpu.vector_load %arg8[%swap3A_196, %swap3A_197] {strides = array<i32>} : memref<8x2048xf32, #tpu.memory_space<vmem>>, vector<16xf32>,
      tpu.vector_store %arg8[%swap3A_196, %swap3A_197], %broadcast_in_dim3A_31 {strides = array<i32>} : memref<8x2048xf32, #tpu.memory_space<vmem>>, vector<16xf32>,
      %mul3A_199 = arith.constant 16 : i32
      %mul3A_200 = arith.muli %scan3A_175, %mul3A_199 : i32
      %add3A_201 = arith.constant 1152 : i32
      %add3A_202 = arith.addi %add3A_201, %mul3A_200 : i32
      %swap3A_203 = arith.constant 3 : i32
      %swap3A_204 = arith.index_cast %swap3A_203 : i32 to index
      %swap3A_205 = arith.index_cast %add3A_202 : i32 to index
      %swap3A_206 = tpu.vector_load %arg8[%swap3A_204, %swap3A_205] {strides = array<i32>} : memref<8x2048xf32, #tpu.memory_space<vmem>>, vector<16xf32>,
      tpu.vector_store %arg8[%swap3A_204, %swap3A_205], %broadcast_in_dim3A_31 {strides = array<i32>} : memref<8x2048xf32, #tpu.memory_space<vmem>>, vector<16xf32>,
      %mul3A_207 = arith.constant 16 : i32
      %mul3A_208 = arith.muli %scan3A_175, %mul3A_207 : i32
      %add3A_209 = arith.constant 1152 : i32
      %add3A_210 = arith.addi %add3A_209, %mul3A_208 : i32
      %swap3A_211 = arith.constant 4 : i32
      %swap3A_212 = arith.index_cast %swap3A_211 : i32 to index
      %swap3A_213 = arith.index_cast %add3A_210 : i32 to index
      %swap3A_214 = tpu.vector_load %arg8[%swap3A_212, %swap3A_213] {strides = array<i32>} : memref<8x2048xf32, #tpu.memory_space<vmem>>, vector<16xf32>,
      tpu.vector_store %arg8[%swap3A_212, %swap3A_213], %broadcast_in_dim3A_31 {strides = array<i32>} : memref<8x2048xf32, #tpu.memory_space<vmem>>, vector<16xf32>,
      %mul3A_215 = arith.constant 16 : i32
      %mul3A_216 = arith.muli %scan3A_175, %mul3A_215 : i32
      %add3A_217 = arith.constant 1152 : i32
      %add3A_218 = arith.addi %add3A_217, %mul3A_216 : i32
      %swap3A_219 = arith.constant 5 : i32
      %swap3A_220 = arith.index_cast %swap3A_219 : i32 to index
      %swap3A_221 = arith.index_cast %add3A_218 : i32 to index
      %swap3A_222 = tpu.vector_load %arg8[%swap3A_220, %swap3A_221] {strides = array<i32>} : memref<8x2048xf32, #tpu.memory_space<vmem>>, vector<16xf32>,
      tpu.vector_store %arg8[%swap3A_220, %swap3A_221], %broadcast_in_dim3A_31 {strides = array<i32>} : memref<8x2048xf32, #tpu.memory_space<vmem>>, vector<16xf32>,
      %mul3A_223 = arith.constant 16 : i32
      %mul3A_224 = arith.muli %scan3A_175, %mul3A_223 : i32
      %add3A_225 = arith.constant 1152 : i32
      %add3A_226 = arith.addi %add3A_225, %mul3A_224 : i32
      %swap3A_227 = arith.constant 6 : i32
      %swap3A_228 = arith.index_cast %swap3A_227 : i32 to index
      %swap3A_229 = arith.index_cast %add3A_226 : i32 to index
      %swap3A_230 = tpu.vector_load %arg8[%swap3A_228, %swap3A_229] {strides = array<i32>} : memref<8x2048xf32, #tpu.memory_space<vmem>>, vector<16xf32>,
      tpu.vector_store %arg8[%swap3A_228, %swap3A_229], %broadcast_in_dim3A_31 {strides = array<i32>} : memref<8x2048xf32, #tpu.memory_space<vmem>>, vector<16xf32>,
      %mul3A_231 = arith.constant 16 : i32
      %mul3A_232 = arith.muli %scan3A_175, %mul3A_231 : i32
      %add3A_233 = arith.constant 1152 : i32
      %add3A_234 = arith.addi %add3A_233, %mul3A_232 : i32
      %swap3A_235 = arith.constant 7 : i32
      %swap3A_236 = arith.index_cast %swap3A_235 : i32 to index
      %swap3A_237 = arith.index_cast %add3A_234 : i32 to index
      %swap3A_238 = tpu.vector_load %arg8[%swap3A_236, %swap3A_237] {strides = array<i32>} : memref<8x2048xf32, #tpu.memory_space<vmem>>, vector<16xf32>,
      tpu.vector_store %arg8[%swap3A_236, %swap3A_237], %broadcast_in_dim3A_31 {strides = array<i32>} : memref<8x2048xf32, #tpu.memory_space<vmem>>, vector<16xf32>,
    }
    %scan3A_78 = arith.constant 48 : i32
    %broadcast_in_dim3A_79 = arith.constant 0 : i32
    %broadcast_in_dim3A_80 = vector.broadcast %broadcast_in_dim3A_79 : i32 to vector<16xi32>
    %add3A_81 = vector.broadcast %select_n3A : i32 to vector<16xi32>
    %add3A_82 = arith.addi %broadcast_in_dim3A_80, %add3A_81 : vector<16xi32>
    %mul3A_83 = arith.constant 8 : i32
    %mul3A_84 = arith.muli %select_n3A_30, %mul3A_83 : i32
    %add3A_85 = arith.constant 0 : i32
    %add3A_86 = arith.addi %mul3A_84, %add3A_85 : i32
    %scan3A_87 = arith.constant 0 : i32
    %scan3A_88 = arith.constant 0 : i32
    %scan3A_89 = arith.constant 30 : i32
    %scan3A_90 = arith.addi %scan3A_88, %scan3A_89 : i32
    %scan3A_91 = arith.constant 1 : i32
    scf.for %scan3A_175 = %scan3A_88 to %scan3A_90 step %scan3A_91  : i32 {
      %mul3A_176 = arith.constant 16 : i32
      %mul3A_177 = arith.muli %scan3A_175, %mul3A_176 : i32
      %add3A_178 = vector.broadcast %mul3A_177 : i32 to vector<16xi32>
      %add3A_179 = arith.addi %iota3A, %add3A_178 : vector<16xi32>
      %shift_right_arithmetic3A = arith.constant 5 : i32
      %shift_right_arithmetic3A_180 = vector.broadcast %shift_right_arithmetic3A : i32 to vector<16xi32>
      %shift_right_arithmetic3A_181 = arith.shrsi %add3A_179, %shift_right_arithmetic3A_180 : vector<16xi32>
      %sub3A_182 = arith.constant 7 : i32
      %sub3A_183 = vector.broadcast %sub3A_182 : i32 to vector<16xi32>
      %sub3A_184 = arith.subi %shift_right_arithmetic3A_181, %sub3A_183 : vector<16xi32>
      %abs3A = math.absi %sub3A_184 : vector<16xi32>
      %and3A_185 = arith.constant 31 : i32
      %and3A_186 = vector.broadcast %and3A_185 : i32 to vector<16xi32>
      %and3A_187 = arith.andi %add3A_179, %and3A_186 : vector<16xi32>
      %sub3A_188 = vector.broadcast %add3A_86 : i32 to vector<16xi32>
      %sub3A_189 = arith.subi %sub3A_188, %and3A_187 : vector<16xi32>
      %abs3A_190 = math.absi %sub3A_189 : vector<16xi32>
      %le3A = arith.constant 7 : i32
      %le3A_191 = vector.broadcast %le3A : i32 to vector<16xi32>
      %le3A_192 = arith.cmpi sle, %abs3A_190, %le3A_191 : vector<16xi32>
      %mul3A_193 = arith.constant 8 : i32
      %mul3A_194 = vector.broadcast %mul3A_193 : i32 to vector<16xi32>
      %mul3A_195 = arith.muli %abs3A, %mul3A_194 : vector<16xi32>
      %add3A_196 = arith.addi %mul3A_195, %abs3A_190 : vector<16xi32>
      %jit3A_197 = arith.constant 64 : i32
      %broadcast_in_dim3A_198 = vector.broadcast %jit3A_197 : i32 to vector<16xi32>
      %select_n3A_199 = arith.select %le3A_192, %add3A_196, %broadcast_in_dim3A_198 : vector<16xi1>, vector<16xi32>
      %mul3A_200 = arith.constant 8 : i32
      %mul3A_201 = vector.broadcast %mul3A_200 : i32 to vector<16xi32>
      %mul3A_202 = arith.muli %select_n3A_199, %mul3A_201 : vector<16xi32>
      %add3A_203 = arith.addi %mul3A_202, %add3A_82 : vector<16xi32>
      %gather3A = tpu.vector_load_idx %arg4[%add3A_203] : memref<520xf32, #tpu.memory_space<vmem>>[vector<16xi32>], vector<16xf32>,
      %mul3A_204 = arith.constant 16 : i32
      %mul3A_205 = arith.muli %scan3A_175, %mul3A_204 : i32
      %add3A_206 = arith.constant 768 : i32
      %add3A_207 = arith.addi %add3A_206, %mul3A_205 : i32
      %swap3A = arith.constant 0 : i32
      %swap3A_208 = arith.index_cast %swap3A : i32 to index
      %swap3A_209 = arith.index_cast %add3A_207 : i32 to index
      %swap3A_210 = tpu.vector_load %arg5[%swap3A_208, %swap3A_209] {strides = array<i32>} : memref<8x2048xf32, #tpu.memory_space<vmem>>, vector<16xf32>,
      tpu.vector_store %arg5[%swap3A_208, %swap3A_209], %gather3A {strides = array<i32>} : memref<8x2048xf32, #tpu.memory_space<vmem>>, vector<16xf32>,
      %mul3A_211 = arith.constant 16 : i32
      %mul3A_212 = arith.muli %scan3A_175, %mul3A_211 : i32
      %add3A_213 = arith.constant 736 : i32
      %add3A_214 = arith.addi %add3A_213, %mul3A_212 : i32
      %swap3A_215 = arith.constant 0 : i32
      %swap3A_216 = arith.index_cast %swap3A_215 : i32 to index
      %swap3A_217 = arith.index_cast %add3A_214 : i32 to index
      %swap3A_218 = tpu.vector_load %arg6[%swap3A_216, %swap3A_217] {strides = array<i32>} : memref<8x2048xf32, #tpu.memory_space<vmem>>, vector<16xf32>,
      tpu.vector_store %arg6[%swap3A_216, %swap3A_217], %gather3A {strides = array<i32>} : memref<8x2048xf32, #tpu.memory_space<vmem>>, vector<16xf32>,
      %mul3A_219 = arith.constant 16 : i32
      %mul3A_220 = arith.muli %scan3A_175, %mul3A_219 : i32
      %add3A_221 = arith.constant 704 : i32
      %add3A_222 = arith.addi %add3A_221, %mul3A_220 : i32
      %swap3A_223 = arith.constant 0 : i32
      %swap3A_224 = arith.index_cast %swap3A_223 : i32 to index
      %swap3A_225 = arith.index_cast %add3A_222 : i32 to index
      %swap3A_226 = tpu.vector_load %arg7[%swap3A_224, %swap3A_225] {strides = array<i32>} : memref<8x2048xf32, #tpu.memory_space<vmem>>, vector<16xf32>,
      tpu.vector_store %arg7[%swap3A_224, %swap3A_225], %gather3A {strides = array<i32>} : memref<8x2048xf32, #tpu.memory_space<vmem>>, vector<16xf32>,
      %mul3A_227 = arith.constant 16 : i32
      %mul3A_228 = arith.muli %scan3A_175, %mul3A_227 : i32
      %add3A_229 = arith.constant 672 : i32
      %add3A_230 = arith.addi %add3A_229, %mul3A_228 : i32
      %swap3A_231 = arith.constant 0 : i32
      %swap3A_232 = arith.index_cast %swap3A_231 : i32 to index
      %swap3A_233 = arith.index_cast %add3A_230 : i32 to index
      %swap3A_234 = tpu.vector_load %arg8[%swap3A_232, %swap3A_233] {strides = array<i32>} : memref<8x2048xf32, #tpu.memory_space<vmem>>, vector<16xf32>,
      tpu.vector_store %arg8[%swap3A_232, %swap3A_233], %gather3A {strides = array<i32>} : memref<8x2048xf32, #tpu.memory_space<vmem>>, vector<16xf32>,
    }
    %scan3A_92 = arith.constant 30 : i32
    %mul3A_93 = arith.constant 8 : i32
    %mul3A_94 = arith.muli %select_n3A_30, %mul3A_93 : i32
    %add3A_95 = arith.constant 1 : i32
    %add3A_96 = arith.addi %mul3A_94, %add3A_95 : i32
    %scan3A_97 = arith.constant 0 : i32
    %scan3A_98 = arith.constant 0 : i32
    %scan3A_99 = arith.constant 30 : i32
    %scan3A_100 = arith.addi %scan3A_98, %scan3A_99 : i32
    %scan3A_101 = arith.constant 1 : i32
    scf.for %scan3A_175 = %scan3A_98 to %scan3A_100 step %scan3A_101  : i32 {
      %mul3A_176 = arith.constant 16 : i32
      %mul3A_177 = arith.muli %scan3A_175, %mul3A_176 : i32
      %add3A_178 = vector.broadcast %mul3A_177 : i32 to vector<16xi32>
      %add3A_179 = arith.addi %iota3A, %add3A_178 : vector<16xi32>
      %shift_right_arithmetic3A = arith.constant 5 : i32
      %shift_right_arithmetic3A_180 = vector.broadcast %shift_right_arithmetic3A : i32 to vector<16xi32>
      %shift_right_arithmetic3A_181 = arith.shrsi %add3A_179, %shift_right_arithmetic3A_180 : vector<16xi32>
      %sub3A_182 = arith.constant 7 : i32
      %sub3A_183 = vector.broadcast %sub3A_182 : i32 to vector<16xi32>
      %sub3A_184 = arith.subi %shift_right_arithmetic3A_181, %sub3A_183 : vector<16xi32>
      %abs3A = math.absi %sub3A_184 : vector<16xi32>
      %and3A_185 = arith.constant 31 : i32
      %and3A_186 = vector.broadcast %and3A_185 : i32 to vector<16xi32>
      %and3A_187 = arith.andi %add3A_179, %and3A_186 : vector<16xi32>
      %sub3A_188 = vector.broadcast %add3A_96 : i32 to vector<16xi32>
      %sub3A_189 = arith.subi %sub3A_188, %and3A_187 : vector<16xi32>
      %abs3A_190 = math.absi %sub3A_189 : vector<16xi32>
      %le3A = arith.constant 7 : i32
      %le3A_191 = vector.broadcast %le3A : i32 to vector<16xi32>
      %le3A_192 = arith.cmpi sle, %abs3A_190, %le3A_191 : vector<16xi32>
      %mul3A_193 = arith.constant 8 : i32
      %mul3A_194 = vector.broadcast %mul3A_193 : i32 to vector<16xi32>
      %mul3A_195 = arith.muli %abs3A, %mul3A_194 : vector<16xi32>
      %add3A_196 = arith.addi %mul3A_195, %abs3A_190 : vector<16xi32>
      %jit3A_197 = arith.constant 64 : i32
      %broadcast_in_dim3A_198 = vector.broadcast %jit3A_197 : i32 to vector<16xi32>
      %select_n3A_199 = arith.select %le3A_192, %add3A_196, %broadcast_in_dim3A_198 : vector<16xi1>, vector<16xi32>
      %mul3A_200 = arith.constant 8 : i32
      %mul3A_201 = vector.broadcast %mul3A_200 : i32 to vector<16xi32>
      %mul3A_202 = arith.muli %select_n3A_199, %mul3A_201 : vector<16xi32>
      %add3A_203 = arith.addi %mul3A_202, %add3A_82 : vector<16xi32>
      %gather3A = tpu.vector_load_idx %arg4[%add3A_203] : memref<520xf32, #tpu.memory_space<vmem>>[vector<16xi32>], vector<16xf32>,
      %mul3A_204 = arith.constant 16 : i32
      %mul3A_205 = arith.muli %scan3A_175, %mul3A_204 : i32
      %add3A_206 = arith.constant 768 : i32
      %add3A_207 = arith.addi %add3A_206, %mul3A_205 : i32
      %swap3A = arith.constant 1 : i32
      %swap3A_208 = arith.index_cast %swap3A : i32 to index
      %swap3A_209 = arith.index_cast %add3A_207 : i32 to index
      %swap3A_210 = tpu.vector_load %arg5[%swap3A_208, %swap3A_209] {strides = array<i32>} : memref<8x2048xf32, #tpu.memory_space<vmem>>, vector<16xf32>,
      tpu.vector_store %arg5[%swap3A_208, %swap3A_209], %gather3A {strides = array<i32>} : memref<8x2048xf32, #tpu.memory_space<vmem>>, vector<16xf32>,
      %mul3A_211 = arith.constant 16 : i32
      %mul3A_212 = arith.muli %scan3A_175, %mul3A_211 : i32
      %add3A_213 = arith.constant 736 : i32
      %add3A_214 = arith.addi %add3A_213, %mul3A_212 : i32
      %swap3A_215 = arith.constant 1 : i32
      %swap3A_216 = arith.index_cast %swap3A_215 : i32 to index
      %swap3A_217 = arith.index_cast %add3A_214 : i32 to index
      %swap3A_218 = tpu.vector_load %arg6[%swap3A_216, %swap3A_217] {strides = array<i32>} : memref<8x2048xf32, #tpu.memory_space<vmem>>, vector<16xf32>,
      tpu.vector_store %arg6[%swap3A_216, %swap3A_217], %gather3A {strides = array<i32>} : memref<8x2048xf32, #tpu.memory_space<vmem>>, vector<16xf32>,
      %mul3A_219 = arith.constant 16 : i32
      %mul3A_220 = arith.muli %scan3A_175, %mul3A_219 : i32
      %add3A_221 = arith.constant 704 : i32
      %add3A_222 = arith.addi %add3A_221, %mul3A_220 : i32
      %swap3A_223 = arith.constant 1 : i32
      %swap3A_224 = arith.index_cast %swap3A_223 : i32 to index
      %swap3A_225 = arith.index_cast %add3A_222 : i32 to index
      %swap3A_226 = tpu.vector_load %arg7[%swap3A_224, %swap3A_225] {strides = array<i32>} : memref<8x2048xf32, #tpu.memory_space<vmem>>, vector<16xf32>,
      tpu.vector_store %arg7[%swap3A_224, %swap3A_225], %gather3A {strides = array<i32>} : memref<8x2048xf32, #tpu.memory_space<vmem>>, vector<16xf32>,
      %mul3A_227 = arith.constant 16 : i32
      %mul3A_228 = arith.muli %scan3A_175, %mul3A_227 : i32
      %add3A_229 = arith.constant 672 : i32
      %add3A_230 = arith.addi %add3A_229, %mul3A_228 : i32
      %swap3A_231 = arith.constant 1 : i32
      %swap3A_232 = arith.index_cast %swap3A_231 : i32 to index
      %swap3A_233 = arith.index_cast %add3A_230 : i32 to index
      %swap3A_234 = tpu.vector_load %arg8[%swap3A_232, %swap3A_233] {strides = array<i32>} : memref<8x2048xf32, #tpu.memory_space<vmem>>, vector<16xf32>,
      tpu.vector_store %arg8[%swap3A_232, %swap3A_233], %gather3A {strides = array<i32>} : memref<8x2048xf32, #tpu.memory_space<vmem>>, vector<16xf32>,
    }
    %scan3A_102 = arith.constant 30 : i32
    %mul3A_103 = arith.constant 8 : i32
    %mul3A_104 = arith.muli %select_n3A_30, %mul3A_103 : i32
    %add3A_105 = arith.constant 2 : i32
    %add3A_106 = arith.addi %mul3A_104, %add3A_105 : i32
    %scan3A_107 = arith.constant 0 : i32
    %scan3A_108 = arith.constant 0 : i32
    %scan3A_109 = arith.constant 30 : i32
    %scan3A_110 = arith.addi %scan3A_108, %scan3A_109 : i32
    %scan3A_111 = arith.constant 1 : i32
    scf.for %scan3A_175 = %scan3A_108 to %scan3A_110 step %scan3A_111  : i32 {
      %mul3A_176 = arith.constant 16 : i32
      %mul3A_177 = arith.muli %scan3A_175, %mul3A_176 : i32
      %add3A_178 = vector.broadcast %mul3A_177 : i32 to vector<16xi32>
      %add3A_179 = arith.addi %iota3A, %add3A_178 : vector<16xi32>
      %shift_right_arithmetic3A = arith.constant 5 : i32
      %shift_right_arithmetic3A_180 = vector.broadcast %shift_right_arithmetic3A : i32 to vector<16xi32>
      %shift_right_arithmetic3A_181 = arith.shrsi %add3A_179, %shift_right_arithmetic3A_180 : vector<16xi32>
      %sub3A_182 = arith.constant 7 : i32
      %sub3A_183 = vector.broadcast %sub3A_182 : i32 to vector<16xi32>
      %sub3A_184 = arith.subi %shift_right_arithmetic3A_181, %sub3A_183 : vector<16xi32>
      %abs3A = math.absi %sub3A_184 : vector<16xi32>
      %and3A_185 = arith.constant 31 : i32
      %and3A_186 = vector.broadcast %and3A_185 : i32 to vector<16xi32>
      %and3A_187 = arith.andi %add3A_179, %and3A_186 : vector<16xi32>
      %sub3A_188 = vector.broadcast %add3A_106 : i32 to vector<16xi32>
      %sub3A_189 = arith.subi %sub3A_188, %and3A_187 : vector<16xi32>
      %abs3A_190 = math.absi %sub3A_189 : vector<16xi32>
      %le3A = arith.constant 7 : i32
      %le3A_191 = vector.broadcast %le3A : i32 to vector<16xi32>
      %le3A_192 = arith.cmpi sle, %abs3A_190, %le3A_191 : vector<16xi32>
      %mul3A_193 = arith.constant 8 : i32
      %mul3A_194 = vector.broadcast %mul3A_193 : i32 to vector<16xi32>
      %mul3A_195 = arith.muli %abs3A, %mul3A_194 : vector<16xi32>
      %add3A_196 = arith.addi %mul3A_195, %abs3A_190 : vector<16xi32>
      %jit3A_197 = arith.constant 64 : i32
      %broadcast_in_dim3A_198 = vector.broadcast %jit3A_197 : i32 to vector<16xi32>
      %select_n3A_199 = arith.select %le3A_192, %add3A_196, %broadcast_in_dim3A_198 : vector<16xi1>, vector<16xi32>
      %mul3A_200 = arith.constant 8 : i32
      %mul3A_201 = vector.broadcast %mul3A_200 : i32 to vector<16xi32>
      %mul3A_202 = arith.muli %select_n3A_199, %mul3A_201 : vector<16xi32>
      %add3A_203 = arith.addi %mul3A_202, %add3A_82 : vector<16xi32>
      %gather3A = tpu.vector_load_idx %arg4[%add3A_203] : memref<520xf32, #tpu.memory_space<vmem>>[vector<16xi32>], vector<16xf32>,
      %mul3A_204 = arith.constant 16 : i32
      %mul3A_205 = arith.muli %scan3A_175, %mul3A_204 : i32
      %add3A_206 = arith.constant 768 : i32
      %add3A_207 = arith.addi %add3A_206, %mul3A_205 : i32
      %swap3A = arith.constant 2 : i32
      %swap3A_208 = arith.index_cast %swap3A : i32 to index
      %swap3A_209 = arith.index_cast %add3A_207 : i32 to index
      %swap3A_210 = tpu.vector_load %arg5[%swap3A_208, %swap3A_209] {strides = array<i32>} : memref<8x2048xf32, #tpu.memory_space<vmem>>, vector<16xf32>,
      tpu.vector_store %arg5[%swap3A_208, %swap3A_209], %gather3A {strides = array<i32>} : memref<8x2048xf32, #tpu.memory_space<vmem>>, vector<16xf32>,
      %mul3A_211 = arith.constant 16 : i32
      %mul3A_212 = arith.muli %scan3A_175, %mul3A_211 : i32
      %add3A_213 = arith.constant 736 : i32
      %add3A_214 = arith.addi %add3A_213, %mul3A_212 : i32
      %swap3A_215 = arith.constant 2 : i32
      %swap3A_216 = arith.index_cast %swap3A_215 : i32 to index
      %swap3A_217 = arith.index_cast %add3A_214 : i32 to index
      %swap3A_218 = tpu.vector_load %arg6[%swap3A_216, %swap3A_217] {strides = array<i32>} : memref<8x2048xf32, #tpu.memory_space<vmem>>, vector<16xf32>,
      tpu.vector_store %arg6[%swap3A_216, %swap3A_217], %gather3A {strides = array<i32>} : memref<8x2048xf32, #tpu.memory_space<vmem>>, vector<16xf32>,
      %mul3A_219 = arith.constant 16 : i32
      %mul3A_220 = arith.muli %scan3A_175, %mul3A_219 : i32
      %add3A_221 = arith.constant 704 : i32
      %add3A_222 = arith.addi %add3A_221, %mul3A_220 : i32
      %swap3A_223 = arith.constant 2 : i32
      %swap3A_224 = arith.index_cast %swap3A_223 : i32 to index
      %swap3A_225 = arith.index_cast %add3A_222 : i32 to index
      %swap3A_226 = tpu.vector_load %arg7[%swap3A_224, %swap3A_225] {strides = array<i32>} : memref<8x2048xf32, #tpu.memory_space<vmem>>, vector<16xf32>,
      tpu.vector_store %arg7[%swap3A_224, %swap3A_225], %gather3A {strides = array<i32>} : memref<8x2048xf32, #tpu.memory_space<vmem>>, vector<16xf32>,
      %mul3A_227 = arith.constant 16 : i32
      %mul3A_228 = arith.muli %scan3A_175, %mul3A_227 : i32
      %add3A_229 = arith.constant 672 : i32
      %add3A_230 = arith.addi %add3A_229, %mul3A_228 : i32
      %swap3A_231 = arith.constant 2 : i32
      %swap3A_232 = arith.index_cast %swap3A_231 : i32 to index
      %swap3A_233 = arith.index_cast %add3A_230 : i32 to index
      %swap3A_234 = tpu.vector_load %arg8[%swap3A_232, %swap3A_233] {strides = array<i32>} : memref<8x2048xf32, #tpu.memory_space<vmem>>, vector<16xf32>,
      tpu.vector_store %arg8[%swap3A_232, %swap3A_233], %gather3A {strides = array<i32>} : memref<8x2048xf32, #tpu.memory_space<vmem>>, vector<16xf32>,
    }
    %scan3A_112 = arith.constant 30 : i32
    %mul3A_113 = arith.constant 8 : i32
    %mul3A_114 = arith.muli %select_n3A_30, %mul3A_113 : i32
    %add3A_115 = arith.constant 3 : i32
    %add3A_116 = arith.addi %mul3A_114, %add3A_115 : i32
    %scan3A_117 = arith.constant 0 : i32
    %scan3A_118 = arith.constant 0 : i32
    %scan3A_119 = arith.constant 30 : i32
    %scan3A_120 = arith.addi %scan3A_118, %scan3A_119 : i32
    %scan3A_121 = arith.constant 1 : i32
    scf.for %scan3A_175 = %scan3A_118 to %scan3A_120 step %scan3A_121  : i32 {
      %mul3A_176 = arith.constant 16 : i32
      %mul3A_177 = arith.muli %scan3A_175, %mul3A_176 : i32
      %add3A_178 = vector.broadcast %mul3A_177 : i32 to vector<16xi32>
      %add3A_179 = arith.addi %iota3A, %add3A_178 : vector<16xi32>
      %shift_right_arithmetic3A = arith.constant 5 : i32
      %shift_right_arithmetic3A_180 = vector.broadcast %shift_right_arithmetic3A : i32 to vector<16xi32>
      %shift_right_arithmetic3A_181 = arith.shrsi %add3A_179, %shift_right_arithmetic3A_180 : vector<16xi32>
      %sub3A_182 = arith.constant 7 : i32
      %sub3A_183 = vector.broadcast %sub3A_182 : i32 to vector<16xi32>
      %sub3A_184 = arith.subi %shift_right_arithmetic3A_181, %sub3A_183 : vector<16xi32>
      %abs3A = math.absi %sub3A_184 : vector<16xi32>
      %and3A_185 = arith.constant 31 : i32
      %and3A_186 = vector.broadcast %and3A_185 : i32 to vector<16xi32>
      %and3A_187 = arith.andi %add3A_179, %and3A_186 : vector<16xi32>
      %sub3A_188 = vector.broadcast %add3A_116 : i32 to vector<16xi32>
      %sub3A_189 = arith.subi %sub3A_188, %and3A_187 : vector<16xi32>
      %abs3A_190 = math.absi %sub3A_189 : vector<16xi32>
      %le3A = arith.constant 7 : i32
      %le3A_191 = vector.broadcast %le3A : i32 to vector<16xi32>
      %le3A_192 = arith.cmpi sle, %abs3A_190, %le3A_191 : vector<16xi32>
      %mul3A_193 = arith.constant 8 : i32
      %mul3A_194 = vector.broadcast %mul3A_193 : i32 to vector<16xi32>
      %mul3A_195 = arith.muli %abs3A, %mul3A_194 : vector<16xi32>
      %add3A_196 = arith.addi %mul3A_195, %abs3A_190 : vector<16xi32>
      %jit3A_197 = arith.constant 64 : i32
      %broadcast_in_dim3A_198 = vector.broadcast %jit3A_197 : i32 to vector<16xi32>
      %select_n3A_199 = arith.select %le3A_192, %add3A_196, %broadcast_in_dim3A_198 : vector<16xi1>, vector<16xi32>
      %mul3A_200 = arith.constant 8 : i32
      %mul3A_201 = vector.broadcast %mul3A_200 : i32 to vector<16xi32>
      %mul3A_202 = arith.muli %select_n3A_199, %mul3A_201 : vector<16xi32>
      %add3A_203 = arith.addi %mul3A_202, %add3A_82 : vector<16xi32>
      %gather3A = tpu.vector_load_idx %arg4[%add3A_203] : memref<520xf32, #tpu.memory_space<vmem>>[vector<16xi32>], vector<16xf32>,
      %mul3A_204 = arith.constant 16 : i32
      %mul3A_205 = arith.muli %scan3A_175, %mul3A_204 : i32
      %add3A_206 = arith.constant 768 : i32
      %add3A_207 = arith.addi %add3A_206, %mul3A_205 : i32
      %swap3A = arith.constant 3 : i32
      %swap3A_208 = arith.index_cast %swap3A : i32 to index
      %swap3A_209 = arith.index_cast %add3A_207 : i32 to index
      %swap3A_210 = tpu.vector_load %arg5[%swap3A_208, %swap3A_209] {strides = array<i32>} : memref<8x2048xf32, #tpu.memory_space<vmem>>, vector<16xf32>,
      tpu.vector_store %arg5[%swap3A_208, %swap3A_209], %gather3A {strides = array<i32>} : memref<8x2048xf32, #tpu.memory_space<vmem>>, vector<16xf32>,
      %mul3A_211 = arith.constant 16 : i32
      %mul3A_212 = arith.muli %scan3A_175, %mul3A_211 : i32
      %add3A_213 = arith.constant 736 : i32
      %add3A_214 = arith.addi %add3A_213, %mul3A_212 : i32
      %swap3A_215 = arith.constant 3 : i32
      %swap3A_216 = arith.index_cast %swap3A_215 : i32 to index
      %swap3A_217 = arith.index_cast %add3A_214 : i32 to index
      %swap3A_218 = tpu.vector_load %arg6[%swap3A_216, %swap3A_217] {strides = array<i32>} : memref<8x2048xf32, #tpu.memory_space<vmem>>, vector<16xf32>,
      tpu.vector_store %arg6[%swap3A_216, %swap3A_217], %gather3A {strides = array<i32>} : memref<8x2048xf32, #tpu.memory_space<vmem>>, vector<16xf32>,
      %mul3A_219 = arith.constant 16 : i32
      %mul3A_220 = arith.muli %scan3A_175, %mul3A_219 : i32
      %add3A_221 = arith.constant 704 : i32
      %add3A_222 = arith.addi %add3A_221, %mul3A_220 : i32
      %swap3A_223 = arith.constant 3 : i32
      %swap3A_224 = arith.index_cast %swap3A_223 : i32 to index
      %swap3A_225 = arith.index_cast %add3A_222 : i32 to index
      %swap3A_226 = tpu.vector_load %arg7[%swap3A_224, %swap3A_225] {strides = array<i32>} : memref<8x2048xf32, #tpu.memory_space<vmem>>, vector<16xf32>,
      tpu.vector_store %arg7[%swap3A_224, %swap3A_225], %gather3A {strides = array<i32>} : memref<8x2048xf32, #tpu.memory_space<vmem>>, vector<16xf32>,
      %mul3A_227 = arith.constant 16 : i32
      %mul3A_228 = arith.muli %scan3A_175, %mul3A_227 : i32
      %add3A_229 = arith.constant 672 : i32
      %add3A_230 = arith.addi %add3A_229, %mul3A_228 : i32
      %swap3A_231 = arith.constant 3 : i32
      %swap3A_232 = arith.index_cast %swap3A_231 : i32 to index
      %swap3A_233 = arith.index_cast %add3A_230 : i32 to index
      %swap3A_234 = tpu.vector_load %arg8[%swap3A_232, %swap3A_233] {strides = array<i32>} : memref<8x2048xf32, #tpu.memory_space<vmem>>, vector<16xf32>,
      tpu.vector_store %arg8[%swap3A_232, %swap3A_233], %gather3A {strides = array<i32>} : memref<8x2048xf32, #tpu.memory_space<vmem>>, vector<16xf32>,
    }
    %scan3A_122 = arith.constant 30 : i32
    %mul3A_123 = arith.constant 8 : i32
    %mul3A_124 = arith.muli %select_n3A_30, %mul3A_123 : i32
    %add3A_125 = arith.constant 4 : i32
    %add3A_126 = arith.addi %mul3A_124, %add3A_125 : i32
    %scan3A_127 = arith.constant 0 : i32
    %scan3A_128 = arith.constant 0 : i32
    %scan3A_129 = arith.constant 30 : i32
    %scan3A_130 = arith.addi %scan3A_128, %scan3A_129 : i32
    %scan3A_131 = arith.constant 1 : i32
    scf.for %scan3A_175 = %scan3A_128 to %scan3A_130 step %scan3A_131  : i32 {
      %mul3A_176 = arith.constant 16 : i32
      %mul3A_177 = arith.muli %scan3A_175, %mul3A_176 : i32
      %add3A_178 = vector.broadcast %mul3A_177 : i32 to vector<16xi32>
      %add3A_179 = arith.addi %iota3A, %add3A_178 : vector<16xi32>
      %shift_right_arithmetic3A = arith.constant 5 : i32
      %shift_right_arithmetic3A_180 = vector.broadcast %shift_right_arithmetic3A : i32 to vector<16xi32>
      %shift_right_arithmetic3A_181 = arith.shrsi %add3A_179, %shift_right_arithmetic3A_180 : vector<16xi32>
      %sub3A_182 = arith.constant 7 : i32
      %sub3A_183 = vector.broadcast %sub3A_182 : i32 to vector<16xi32>
      %sub3A_184 = arith.subi %shift_right_arithmetic3A_181, %sub3A_183 : vector<16xi32>
      %abs3A = math.absi %sub3A_184 : vector<16xi32>
      %and3A_185 = arith.constant 31 : i32
      %and3A_186 = vector.broadcast %and3A_185 : i32 to vector<16xi32>
      %and3A_187 = arith.andi %add3A_179, %and3A_186 : vector<16xi32>
      %sub3A_188 = vector.broadcast %add3A_126 : i32 to vector<16xi32>
      %sub3A_189 = arith.subi %sub3A_188, %and3A_187 : vector<16xi32>
      %abs3A_190 = math.absi %sub3A_189 : vector<16xi32>
      %le3A = arith.constant 7 : i32
      %le3A_191 = vector.broadcast %le3A : i32 to vector<16xi32>
      %le3A_192 = arith.cmpi sle, %abs3A_190, %le3A_191 : vector<16xi32>
      %mul3A_193 = arith.constant 8 : i32
      %mul3A_194 = vector.broadcast %mul3A_193 : i32 to vector<16xi32>
      %mul3A_195 = arith.muli %abs3A, %mul3A_194 : vector<16xi32>
      %add3A_196 = arith.addi %mul3A_195, %abs3A_190 : vector<16xi32>
      %jit3A_197 = arith.constant 64 : i32
      %broadcast_in_dim3A_198 = vector.broadcast %jit3A_197 : i32 to vector<16xi32>
      %select_n3A_199 = arith.select %le3A_192, %add3A_196, %broadcast_in_dim3A_198 : vector<16xi1>, vector<16xi32>
      %mul3A_200 = arith.constant 8 : i32
      %mul3A_201 = vector.broadcast %mul3A_200 : i32 to vector<16xi32>
      %mul3A_202 = arith.muli %select_n3A_199, %mul3A_201 : vector<16xi32>
      %add3A_203 = arith.addi %mul3A_202, %add3A_82 : vector<16xi32>
      %gather3A = tpu.vector_load_idx %arg4[%add3A_203] : memref<520xf32, #tpu.memory_space<vmem>>[vector<16xi32>], vector<16xf32>,
      %mul3A_204 = arith.constant 16 : i32
      %mul3A_205 = arith.muli %scan3A_175, %mul3A_204 : i32
      %add3A_206 = arith.constant 768 : i32
      %add3A_207 = arith.addi %add3A_206, %mul3A_205 : i32
      %swap3A = arith.constant 4 : i32
      %swap3A_208 = arith.index_cast %swap3A : i32 to index
      %swap3A_209 = arith.index_cast %add3A_207 : i32 to index
      %swap3A_210 = tpu.vector_load %arg5[%swap3A_208, %swap3A_209] {strides = array<i32>} : memref<8x2048xf32, #tpu.memory_space<vmem>>, vector<16xf32>,
      tpu.vector_store %arg5[%swap3A_208, %swap3A_209], %gather3A {strides = array<i32>} : memref<8x2048xf32, #tpu.memory_space<vmem>>, vector<16xf32>,
      %mul3A_211 = arith.constant 16 : i32
      %mul3A_212 = arith.muli %scan3A_175, %mul3A_211 : i32
      %add3A_213 = arith.constant 736 : i32
      %add3A_214 = arith.addi %add3A_213, %mul3A_212 : i32
      %swap3A_215 = arith.constant 4 : i32
      %swap3A_216 = arith.index_cast %swap3A_215 : i32 to index
      %swap3A_217 = arith.index_cast %add3A_214 : i32 to index
      %swap3A_218 = tpu.vector_load %arg6[%swap3A_216, %swap3A_217] {strides = array<i32>} : memref<8x2048xf32, #tpu.memory_space<vmem>>, vector<16xf32>,
      tpu.vector_store %arg6[%swap3A_216, %swap3A_217], %gather3A {strides = array<i32>} : memref<8x2048xf32, #tpu.memory_space<vmem>>, vector<16xf32>,
      %mul3A_219 = arith.constant 16 : i32
      %mul3A_220 = arith.muli %scan3A_175, %mul3A_219 : i32
      %add3A_221 = arith.constant 704 : i32
      %add3A_222 = arith.addi %add3A_221, %mul3A_220 : i32
      %swap3A_223 = arith.constant 4 : i32
      %swap3A_224 = arith.index_cast %swap3A_223 : i32 to index
      %swap3A_225 = arith.index_cast %add3A_222 : i32 to index
      %swap3A_226 = tpu.vector_load %arg7[%swap3A_224, %swap3A_225] {strides = array<i32>} : memref<8x2048xf32, #tpu.memory_space<vmem>>, vector<16xf32>,
      tpu.vector_store %arg7[%swap3A_224, %swap3A_225], %gather3A {strides = array<i32>} : memref<8x2048xf32, #tpu.memory_space<vmem>>, vector<16xf32>,
      %mul3A_227 = arith.constant 16 : i32
      %mul3A_228 = arith.muli %scan3A_175, %mul3A_227 : i32
      %add3A_229 = arith.constant 672 : i32
      %add3A_230 = arith.addi %add3A_229, %mul3A_228 : i32
      %swap3A_231 = arith.constant 4 : i32
      %swap3A_232 = arith.index_cast %swap3A_231 : i32 to index
      %swap3A_233 = arith.index_cast %add3A_230 : i32 to index
      %swap3A_234 = tpu.vector_load %arg8[%swap3A_232, %swap3A_233] {strides = array<i32>} : memref<8x2048xf32, #tpu.memory_space<vmem>>, vector<16xf32>,
      tpu.vector_store %arg8[%swap3A_232, %swap3A_233], %gather3A {strides = array<i32>} : memref<8x2048xf32, #tpu.memory_space<vmem>>, vector<16xf32>,
    }
    %scan3A_132 = arith.constant 30 : i32
    %mul3A_133 = arith.constant 8 : i32
    %mul3A_134 = arith.muli %select_n3A_30, %mul3A_133 : i32
    %add3A_135 = arith.constant 5 : i32
    %add3A_136 = arith.addi %mul3A_134, %add3A_135 : i32
    %scan3A_137 = arith.constant 0 : i32
    %scan3A_138 = arith.constant 0 : i32
    %scan3A_139 = arith.constant 30 : i32
    %scan3A_140 = arith.addi %scan3A_138, %scan3A_139 : i32
    %scan3A_141 = arith.constant 1 : i32
    scf.for %scan3A_175 = %scan3A_138 to %scan3A_140 step %scan3A_141  : i32 {
      %mul3A_176 = arith.constant 16 : i32
      %mul3A_177 = arith.muli %scan3A_175, %mul3A_176 : i32
      %add3A_178 = vector.broadcast %mul3A_177 : i32 to vector<16xi32>
      %add3A_179 = arith.addi %iota3A, %add3A_178 : vector<16xi32>
      %shift_right_arithmetic3A = arith.constant 5 : i32
      %shift_right_arithmetic3A_180 = vector.broadcast %shift_right_arithmetic3A : i32 to vector<16xi32>
      %shift_right_arithmetic3A_181 = arith.shrsi %add3A_179, %shift_right_arithmetic3A_180 : vector<16xi32>
      %sub3A_182 = arith.constant 7 : i32
      %sub3A_183 = vector.broadcast %sub3A_182 : i32 to vector<16xi32>
      %sub3A_184 = arith.subi %shift_right_arithmetic3A_181, %sub3A_183 : vector<16xi32>
      %abs3A = math.absi %sub3A_184 : vector<16xi32>
      %and3A_185 = arith.constant 31 : i32
      %and3A_186 = vector.broadcast %and3A_185 : i32 to vector<16xi32>
      %and3A_187 = arith.andi %add3A_179, %and3A_186 : vector<16xi32>
      %sub3A_188 = vector.broadcast %add3A_136 : i32 to vector<16xi32>
      %sub3A_189 = arith.subi %sub3A_188, %and3A_187 : vector<16xi32>
      %abs3A_190 = math.absi %sub3A_189 : vector<16xi32>
      %le3A = arith.constant 7 : i32
      %le3A_191 = vector.broadcast %le3A : i32 to vector<16xi32>
      %le3A_192 = arith.cmpi sle, %abs3A_190, %le3A_191 : vector<16xi32>
      %mul3A_193 = arith.constant 8 : i32
      %mul3A_194 = vector.broadcast %mul3A_193 : i32 to vector<16xi32>
      %mul3A_195 = arith.muli %abs3A, %mul3A_194 : vector<16xi32>
      %add3A_196 = arith.addi %mul3A_195, %abs3A_190 : vector<16xi32>
      %jit3A_197 = arith.constant 64 : i32
      %broadcast_in_dim3A_198 = vector.broadcast %jit3A_197 : i32 to vector<16xi32>
      %select_n3A_199 = arith.select %le3A_192, %add3A_196, %broadcast_in_dim3A_198 : vector<16xi1>, vector<16xi32>
      %mul3A_200 = arith.constant 8 : i32
      %mul3A_201 = vector.broadcast %mul3A_200 : i32 to vector<16xi32>
      %mul3A_202 = arith.muli %select_n3A_199, %mul3A_201 : vector<16xi32>
      %add3A_203 = arith.addi %mul3A_202, %add3A_82 : vector<16xi32>
      %gather3A = tpu.vector_load_idx %arg4[%add3A_203] : memref<520xf32, #tpu.memory_space<vmem>>[vector<16xi32>], vector<16xf32>,
      %mul3A_204 = arith.constant 16 : i32
      %mul3A_205 = arith.muli %scan3A_175, %mul3A_204 : i32
      %add3A_206 = arith.constant 768 : i32
      %add3A_207 = arith.addi %add3A_206, %mul3A_205 : i32
      %swap3A = arith.constant 5 : i32
      %swap3A_208 = arith.index_cast %swap3A : i32 to index
      %swap3A_209 = arith.index_cast %add3A_207 : i32 to index
      %swap3A_210 = tpu.vector_load %arg5[%swap3A_208, %swap3A_209] {strides = array<i32>} : memref<8x2048xf32, #tpu.memory_space<vmem>>, vector<16xf32>,
      tpu.vector_store %arg5[%swap3A_208, %swap3A_209], %gather3A {strides = array<i32>} : memref<8x2048xf32, #tpu.memory_space<vmem>>, vector<16xf32>,
      %mul3A_211 = arith.constant 16 : i32
      %mul3A_212 = arith.muli %scan3A_175, %mul3A_211 : i32
      %add3A_213 = arith.constant 736 : i32
      %add3A_214 = arith.addi %add3A_213, %mul3A_212 : i32
      %swap3A_215 = arith.constant 5 : i32
      %swap3A_216 = arith.index_cast %swap3A_215 : i32 to index
      %swap3A_217 = arith.index_cast %add3A_214 : i32 to index
      %swap3A_218 = tpu.vector_load %arg6[%swap3A_216, %swap3A_217] {strides = array<i32>} : memref<8x2048xf32, #tpu.memory_space<vmem>>, vector<16xf32>,
      tpu.vector_store %arg6[%swap3A_216, %swap3A_217], %gather3A {strides = array<i32>} : memref<8x2048xf32, #tpu.memory_space<vmem>>, vector<16xf32>,
      %mul3A_219 = arith.constant 16 : i32
      %mul3A_220 = arith.muli %scan3A_175, %mul3A_219 : i32
      %add3A_221 = arith.constant 704 : i32
      %add3A_222 = arith.addi %add3A_221, %mul3A_220 : i32
      %swap3A_223 = arith.constant 5 : i32
      %swap3A_224 = arith.index_cast %swap3A_223 : i32 to index
      %swap3A_225 = arith.index_cast %add3A_222 : i32 to index
      %swap3A_226 = tpu.vector_load %arg7[%swap3A_224, %swap3A_225] {strides = array<i32>} : memref<8x2048xf32, #tpu.memory_space<vmem>>, vector<16xf32>,
      tpu.vector_store %arg7[%swap3A_224, %swap3A_225], %gather3A {strides = array<i32>} : memref<8x2048xf32, #tpu.memory_space<vmem>>, vector<16xf32>,
      %mul3A_227 = arith.constant 16 : i32
      %mul3A_228 = arith.muli %scan3A_175, %mul3A_227 : i32
      %add3A_229 = arith.constant 672 : i32
      %add3A_230 = arith.addi %add3A_229, %mul3A_228 : i32
      %swap3A_231 = arith.constant 5 : i32
      %swap3A_232 = arith.index_cast %swap3A_231 : i32 to index
      %swap3A_233 = arith.index_cast %add3A_230 : i32 to index
      %swap3A_234 = tpu.vector_load %arg8[%swap3A_232, %swap3A_233] {strides = array<i32>} : memref<8x2048xf32, #tpu.memory_space<vmem>>, vector<16xf32>,
      tpu.vector_store %arg8[%swap3A_232, %swap3A_233], %gather3A {strides = array<i32>} : memref<8x2048xf32, #tpu.memory_space<vmem>>, vector<16xf32>,
    }
    %scan3A_142 = arith.constant 30 : i32
    %mul3A_143 = arith.constant 8 : i32
    %mul3A_144 = arith.muli %select_n3A_30, %mul3A_143 : i32
    %add3A_145 = arith.constant 6 : i32
    %add3A_146 = arith.addi %mul3A_144, %add3A_145 : i32
    %scan3A_147 = arith.constant 0 : i32
    %scan3A_148 = arith.constant 0 : i32
    %scan3A_149 = arith.constant 30 : i32
    %scan3A_150 = arith.addi %scan3A_148, %scan3A_149 : i32
    %scan3A_151 = arith.constant 1 : i32
    scf.for %scan3A_175 = %scan3A_148 to %scan3A_150 step %scan3A_151  : i32 {
      %mul3A_176 = arith.constant 16 : i32
      %mul3A_177 = arith.muli %scan3A_175, %mul3A_176 : i32
      %add3A_178 = vector.broadcast %mul3A_177 : i32 to vector<16xi32>
      %add3A_179 = arith.addi %iota3A, %add3A_178 : vector<16xi32>
      %shift_right_arithmetic3A = arith.constant 5 : i32
      %shift_right_arithmetic3A_180 = vector.broadcast %shift_right_arithmetic3A : i32 to vector<16xi32>
      %shift_right_arithmetic3A_181 = arith.shrsi %add3A_179, %shift_right_arithmetic3A_180 : vector<16xi32>
      %sub3A_182 = arith.constant 7 : i32
      %sub3A_183 = vector.broadcast %sub3A_182 : i32 to vector<16xi32>
      %sub3A_184 = arith.subi %shift_right_arithmetic3A_181, %sub3A_183 : vector<16xi32>
      %abs3A = math.absi %sub3A_184 : vector<16xi32>
      %and3A_185 = arith.constant 31 : i32
      %and3A_186 = vector.broadcast %and3A_185 : i32 to vector<16xi32>
      %and3A_187 = arith.andi %add3A_179, %and3A_186 : vector<16xi32>
      %sub3A_188 = vector.broadcast %add3A_146 : i32 to vector<16xi32>
      %sub3A_189 = arith.subi %sub3A_188, %and3A_187 : vector<16xi32>
      %abs3A_190 = math.absi %sub3A_189 : vector<16xi32>
      %le3A = arith.constant 7 : i32
      %le3A_191 = vector.broadcast %le3A : i32 to vector<16xi32>
      %le3A_192 = arith.cmpi sle, %abs3A_190, %le3A_191 : vector<16xi32>
      %mul3A_193 = arith.constant 8 : i32
      %mul3A_194 = vector.broadcast %mul3A_193 : i32 to vector<16xi32>
      %mul3A_195 = arith.muli %abs3A, %mul3A_194 : vector<16xi32>
      %add3A_196 = arith.addi %mul3A_195, %abs3A_190 : vector<16xi32>
      %jit3A_197 = arith.constant 64 : i32
      %broadcast_in_dim3A_198 = vector.broadcast %jit3A_197 : i32 to vector<16xi32>
      %select_n3A_199 = arith.select %le3A_192, %add3A_196, %broadcast_in_dim3A_198 : vector<16xi1>, vector<16xi32>
      %mul3A_200 = arith.constant 8 : i32
      %mul3A_201 = vector.broadcast %mul3A_200 : i32 to vector<16xi32>
      %mul3A_202 = arith.muli %select_n3A_199, %mul3A_201 : vector<16xi32>
      %add3A_203 = arith.addi %mul3A_202, %add3A_82 : vector<16xi32>
      %gather3A = tpu.vector_load_idx %arg4[%add3A_203] : memref<520xf32, #tpu.memory_space<vmem>>[vector<16xi32>], vector<16xf32>,
      %mul3A_204 = arith.constant 16 : i32
      %mul3A_205 = arith.muli %scan3A_175, %mul3A_204 : i32
      %add3A_206 = arith.constant 768 : i32
      %add3A_207 = arith.addi %add3A_206, %mul3A_205 : i32
      %swap3A = arith.constant 6 : i32
      %swap3A_208 = arith.index_cast %swap3A : i32 to index
      %swap3A_209 = arith.index_cast %add3A_207 : i32 to index
      %swap3A_210 = tpu.vector_load %arg5[%swap3A_208, %swap3A_209] {strides = array<i32>} : memref<8x2048xf32, #tpu.memory_space<vmem>>, vector<16xf32>,
      tpu.vector_store %arg5[%swap3A_208, %swap3A_209], %gather3A {strides = array<i32>} : memref<8x2048xf32, #tpu.memory_space<vmem>>, vector<16xf32>,
      %mul3A_211 = arith.constant 16 : i32
      %mul3A_212 = arith.muli %scan3A_175, %mul3A_211 : i32
      %add3A_213 = arith.constant 736 : i32
      %add3A_214 = arith.addi %add3A_213, %mul3A_212 : i32
      %swap3A_215 = arith.constant 6 : i32
      %swap3A_216 = arith.index_cast %swap3A_215 : i32 to index
      %swap3A_217 = arith.index_cast %add3A_214 : i32 to index
      %swap3A_218 = tpu.vector_load %arg6[%swap3A_216, %swap3A_217] {strides = array<i32>} : memref<8x2048xf32, #tpu.memory_space<vmem>>, vector<16xf32>,
      tpu.vector_store %arg6[%swap3A_216, %swap3A_217], %gather3A {strides = array<i32>} : memref<8x2048xf32, #tpu.memory_space<vmem>>, vector<16xf32>,
      %mul3A_219 = arith.constant 16 : i32
      %mul3A_220 = arith.muli %scan3A_175, %mul3A_219 : i32
      %add3A_221 = arith.constant 704 : i32
      %add3A_222 = arith.addi %add3A_221, %mul3A_220 : i32
      %swap3A_223 = arith.constant 6 : i32
      %swap3A_224 = arith.index_cast %swap3A_223 : i32 to index
      %swap3A_225 = arith.index_cast %add3A_222 : i32 to index
      %swap3A_226 = tpu.vector_load %arg7[%swap3A_224, %swap3A_225] {strides = array<i32>} : memref<8x2048xf32, #tpu.memory_space<vmem>>, vector<16xf32>,
      tpu.vector_store %arg7[%swap3A_224, %swap3A_225], %gather3A {strides = array<i32>} : memref<8x2048xf32, #tpu.memory_space<vmem>>, vector<16xf32>,
      %mul3A_227 = arith.constant 16 : i32
      %mul3A_228 = arith.muli %scan3A_175, %mul3A_227 : i32
      %add3A_229 = arith.constant 672 : i32
      %add3A_230 = arith.addi %add3A_229, %mul3A_228 : i32
      %swap3A_231 = arith.constant 6 : i32
      %swap3A_232 = arith.index_cast %swap3A_231 : i32 to index
      %swap3A_233 = arith.index_cast %add3A_230 : i32 to index
      %swap3A_234 = tpu.vector_load %arg8[%swap3A_232, %swap3A_233] {strides = array<i32>} : memref<8x2048xf32, #tpu.memory_space<vmem>>, vector<16xf32>,
      tpu.vector_store %arg8[%swap3A_232, %swap3A_233], %gather3A {strides = array<i32>} : memref<8x2048xf32, #tpu.memory_space<vmem>>, vector<16xf32>,
    }
    %scan3A_152 = arith.constant 30 : i32
    %mul3A_153 = arith.constant 8 : i32
    %mul3A_154 = arith.muli %select_n3A_30, %mul3A_153 : i32
    %add3A_155 = arith.constant 7 : i32
    %add3A_156 = arith.addi %mul3A_154, %add3A_155 : i32
    %scan3A_157 = arith.constant 0 : i32
    %scan3A_158 = arith.constant 0 : i32
    %scan3A_159 = arith.constant 30 : i32
    %scan3A_160 = arith.addi %scan3A_158, %scan3A_159 : i32
    %scan3A_161 = arith.constant 1 : i32
    scf.for %scan3A_175 = %scan3A_158 to %scan3A_160 step %scan3A_161  : i32 {
      %mul3A_176 = arith.constant 16 : i32
      %mul3A_177 = arith.muli %scan3A_175, %mul3A_176 : i32
      %add3A_178 = vector.broadcast %mul3A_177 : i32 to vector<16xi32>
      %add3A_179 = arith.addi %iota3A, %add3A_178 : vector<16xi32>
      %shift_right_arithmetic3A = arith.constant 5 : i32
      %shift_right_arithmetic3A_180 = vector.broadcast %shift_right_arithmetic3A : i32 to vector<16xi32>
      %shift_right_arithmetic3A_181 = arith.shrsi %add3A_179, %shift_right_arithmetic3A_180 : vector<16xi32>
      %sub3A_182 = arith.constant 7 : i32
      %sub3A_183 = vector.broadcast %sub3A_182 : i32 to vector<16xi32>
      %sub3A_184 = arith.subi %shift_right_arithmetic3A_181, %sub3A_183 : vector<16xi32>
      %abs3A = math.absi %sub3A_184 : vector<16xi32>
      %and3A_185 = arith.constant 31 : i32
      %and3A_186 = vector.broadcast %and3A_185 : i32 to vector<16xi32>
      %and3A_187 = arith.andi %add3A_179, %and3A_186 : vector<16xi32>
      %sub3A_188 = vector.broadcast %add3A_156 : i32 to vector<16xi32>
      %sub3A_189 = arith.subi %sub3A_188, %and3A_187 : vector<16xi32>
      %abs3A_190 = math.absi %sub3A_189 : vector<16xi32>
      %le3A = arith.constant 7 : i32
      %le3A_191 = vector.broadcast %le3A : i32 to vector<16xi32>
      %le3A_192 = arith.cmpi sle, %abs3A_190, %le3A_191 : vector<16xi32>
      %mul3A_193 = arith.constant 8 : i32
      %mul3A_194 = vector.broadcast %mul3A_193 : i32 to vector<16xi32>
      %mul3A_195 = arith.muli %abs3A, %mul3A_194 : vector<16xi32>
      %add3A_196 = arith.addi %mul3A_195, %abs3A_190 : vector<16xi32>
      %jit3A_197 = arith.constant 64 : i32
      %broadcast_in_dim3A_198 = vector.broadcast %jit3A_197 : i32 to vector<16xi32>
      %select_n3A_199 = arith.select %le3A_192, %add3A_196, %broadcast_in_dim3A_198 : vector<16xi1>, vector<16xi32>
      %mul3A_200 = arith.constant 8 : i32
      %mul3A_201 = vector.broadcast %mul3A_200 : i32 to vector<16xi32>
      %mul3A_202 = arith.muli %select_n3A_199, %mul3A_201 : vector<16xi32>
      %add3A_203 = arith.addi %mul3A_202, %add3A_82 : vector<16xi32>
      %gather3A = tpu.vector_load_idx %arg4[%add3A_203] : memref<520xf32, #tpu.memory_space<vmem>>[vector<16xi32>], vector<16xf32>,
      %mul3A_204 = arith.constant 16 : i32
      %mul3A_205 = arith.muli %scan3A_175, %mul3A_204 : i32
      %add3A_206 = arith.constant 768 : i32
      %add3A_207 = arith.addi %add3A_206, %mul3A_205 : i32
      %swap3A = arith.constant 7 : i32
      %swap3A_208 = arith.index_cast %swap3A : i32 to index
      %swap3A_209 = arith.index_cast %add3A_207 : i32 to index
      %swap3A_210 = tpu.vector_load %arg5[%swap3A_208, %swap3A_209] {strides = array<i32>} : memref<8x2048xf32, #tpu.memory_space<vmem>>, vector<16xf32>,
      tpu.vector_store %arg5[%swap3A_208, %swap3A_209], %gather3A {strides = array<i32>} : memref<8x2048xf32, #tpu.memory_space<vmem>>, vector<16xf32>,
      %mul3A_211 = arith.constant 16 : i32
      %mul3A_212 = arith.muli %scan3A_175, %mul3A_211 : i32
      %add3A_213 = arith.constant 736 : i32
      %add3A_214 = arith.addi %add3A_213, %mul3A_212 : i32
      %swap3A_215 = arith.constant 7 : i32
      %swap3A_216 = arith.index_cast %swap3A_215 : i32 to index
      %swap3A_217 = arith.index_cast %add3A_214 : i32 to index
      %swap3A_218 = tpu.vector_load %arg6[%swap3A_216, %swap3A_217] {strides = array<i32>} : memref<8x2048xf32, #tpu.memory_space<vmem>>, vector<16xf32>,
      tpu.vector_store %arg6[%swap3A_216, %swap3A_217], %gather3A {strides = array<i32>} : memref<8x2048xf32, #tpu.memory_space<vmem>>, vector<16xf32>,
      %mul3A_219 = arith.constant 16 : i32
      %mul3A_220 = arith.muli %scan3A_175, %mul3A_219 : i32
      %add3A_221 = arith.constant 704 : i32
      %add3A_222 = arith.addi %add3A_221, %mul3A_220 : i32
      %swap3A_223 = arith.constant 7 : i32
      %swap3A_224 = arith.index_cast %swap3A_223 : i32 to index
      %swap3A_225 = arith.index_cast %add3A_222 : i32 to index
      %swap3A_226 = tpu.vector_load %arg7[%swap3A_224, %swap3A_225] {strides = array<i32>} : memref<8x2048xf32, #tpu.memory_space<vmem>>, vector<16xf32>,
      tpu.vector_store %arg7[%swap3A_224, %swap3A_225], %gather3A {strides = array<i32>} : memref<8x2048xf32, #tpu.memory_space<vmem>>, vector<16xf32>,
      %mul3A_227 = arith.constant 16 : i32
      %mul3A_228 = arith.muli %scan3A_175, %mul3A_227 : i32
      %add3A_229 = arith.constant 672 : i32
      %add3A_230 = arith.addi %add3A_229, %mul3A_228 : i32
      %swap3A_231 = arith.constant 7 : i32
      %swap3A_232 = arith.index_cast %swap3A_231 : i32 to index
      %swap3A_233 = arith.index_cast %add3A_230 : i32 to index
      %swap3A_234 = tpu.vector_load %arg8[%swap3A_232, %swap3A_233] {strides = array<i32>} : memref<8x2048xf32, #tpu.memory_space<vmem>>, vector<16xf32>,
      tpu.vector_store %arg8[%swap3A_232, %swap3A_233], %gather3A {strides = array<i32>} : memref<8x2048xf32, #tpu.memory_space<vmem>>, vector<16xf32>,
    }
    %scan3A_162 = arith.constant 30 : i32
    %scan3A_163 = arith.constant 0 : i32
    %scan3A_164 = arith.constant 0 : i32
    %scan3A_165 = arith.constant 8 : i32
    %scan3A_166 = arith.addi %scan3A_164, %scan3A_165 : i32
    %scan3A_167 = arith.constant 1 : i32
    scf.for %scan3A_175 = %scan3A_164 to %scan3A_166 step %scan3A_167  : i32 {
      %mul3A_176 = arith.constant 128 : i32
      %mul3A_177 = arith.muli %mul3A_176, %scan3A_175 : i32
      %sub3A_178 = arith.constant 992 : i32
      %sub3A_179 = arith.subi %sub3A_178, %mul3A_177 : i32
      %sub3A_180 = arith.constant 96 : i32
      %sub3A_181 = arith.subi %sub3A_179, %sub3A_180 : i32
      %multiple_of3A = tpu.assume_multiple %sub3A_181, 128 : i32
      %mul3A_182 = arith.constant 4 : i32
      %mul3A_183 = arith.muli %scan3A_175, %mul3A_182 : i32
      %add3A_184 = arith.constant 3 : i32
      %add3A_185 = arith.addi %mul3A_183, %add3A_184 : i32
      %mul3A_186 = arith.constant 32 : i32
      %mul3A_187 = arith.muli %add3A_185, %mul3A_186 : i32
      %mul3A_188 = arith.constant 8 : i32
      %mul3A_189 = arith.muli %select_n3A_30, %mul3A_188 : i32
      %add3A_190 = arith.addi %mul3A_187, %mul3A_189 : i32
      %multiple_of3A_191 = tpu.assume_multiple %add3A_190, 8 : i32
      %dma_start3A = arith.constant 0 : i32
      %dma_start3A_192 = tpu.memref_slice %arg5[%dma_start3A, %multiple_of3A] : memref<8x2048xf32, #tpu.memory_space<vmem>> -> memref<8x1024xf32, #tpu.memory_space<vmem>>
      %dma_start3A_193 = arith.constant 0 : i32
      %dma_start3A_194 = tpu.memref_slice %arg3[%select_n3A, %multiple_of3A_191, %dma_start3A_193] : memref<8x1024x1024xf32, #tpu.memory_space<hbm>> -> memref<1x8x1024xf32, #tpu.memory_space<hbm>>
      %dma_start3A_195 = tpu.memref_squeeze %dma_start3A_194 : memref<1x8x1024xf32, #tpu.memory_space<hbm>> -> memref<8x1024xf32, #tpu.memory_space<hbm>>
      %dma_start3A_196 = arith.constant 0 : i32
      %dma_start3A_197 = tpu.memref_slice %arg3[%select_n3A, %multiple_of3A_191, %dma_start3A_196] : memref<8x1024x1024xf32, #tpu.memory_space<hbm>> -> memref<1x8x1024xf32, #tpu.memory_space<hbm>>
      %dma_start3A_198 = tpu.memref_squeeze %dma_start3A_197 : memref<1x8x1024xf32, #tpu.memory_space<hbm>> -> memref<8x1024xf32, #tpu.memory_space<hbm>>
      %dma_start3A_199 = arith.constant 0 : i32
      %dma_start3A_200 = tpu.memref_slice %arg5[%dma_start3A_199, %multiple_of3A] : memref<8x2048xf32, #tpu.memory_space<vmem>> -> memref<8x1024xf32, #tpu.memory_space<vmem>>
      tpu.enqueue_dma source(%dma_start3A_200 : memref<8x1024xf32, #tpu.memory_space<vmem>>) target(%dma_start3A_198 : memref<8x1024xf32, #tpu.memory_space<hbm>>) target_semaphore(%arg9 : memref<!tpu.dma_semaphore, #tpu.memory_space<semaphore_mem>>)
      %mul3A_201 = arith.constant 4 : i32
      %mul3A_202 = arith.muli %scan3A_175, %mul3A_201 : i32
      %add3A_203 = arith.constant 2 : i32
      %add3A_204 = arith.addi %mul3A_202, %add3A_203 : i32
      %mul3A_205 = arith.constant 32 : i32
      %mul3A_206 = arith.muli %add3A_204, %mul3A_205 : i32
      %mul3A_207 = arith.constant 8 : i32
      %mul3A_208 = arith.muli %select_n3A_30, %mul3A_207 : i32
      %add3A_209 = arith.addi %mul3A_206, %mul3A_208 : i32
      %multiple_of3A_210 = tpu.assume_multiple %add3A_209, 8 : i32
      %dma_start3A_211 = arith.constant 0 : i32
      %dma_start3A_212 = tpu.memref_slice %arg6[%dma_start3A_211, %multiple_of3A] : memref<8x2048xf32, #tpu.memory_space<vmem>> -> memref<8x1024xf32, #tpu.memory_space<vmem>>
      %dma_start3A_213 = arith.constant 0 : i32
      %dma_start3A_214 = tpu.memref_slice %arg3[%select_n3A, %multiple_of3A_210, %dma_start3A_213] : memref<8x1024x1024xf32, #tpu.memory_space<hbm>> -> memref<1x8x1024xf32, #tpu.memory_space<hbm>>
      %dma_start3A_215 = tpu.memref_squeeze %dma_start3A_214 : memref<1x8x1024xf32, #tpu.memory_space<hbm>> -> memref<8x1024xf32, #tpu.memory_space<hbm>>
      %dma_start3A_216 = arith.constant 0 : i32
      %dma_start3A_217 = tpu.memref_slice %arg3[%select_n3A, %multiple_of3A_210, %dma_start3A_216] : memref<8x1024x1024xf32, #tpu.memory_space<hbm>> -> memref<1x8x1024xf32, #tpu.memory_space<hbm>>
      %dma_start3A_218 = tpu.memref_squeeze %dma_start3A_217 : memref<1x8x1024xf32, #tpu.memory_space<hbm>> -> memref<8x1024xf32, #tpu.memory_space<hbm>>
      %dma_start3A_219 = arith.constant 0 : i32
      %dma_start3A_220 = tpu.memref_slice %arg6[%dma_start3A_219, %multiple_of3A] : memref<8x2048xf32, #tpu.memory_space<vmem>> -> memref<8x1024xf32, #tpu.memory_space<vmem>>
      tpu.enqueue_dma source(%dma_start3A_220 : memref<8x1024xf32, #tpu.memory_space<vmem>>) target(%dma_start3A_218 : memref<8x1024xf32, #tpu.memory_space<hbm>>) target_semaphore(%arg9 : memref<!tpu.dma_semaphore, #tpu.memory_space<semaphore_mem>>)
      %mul3A_221 = arith.constant 4 : i32
      %mul3A_222 = arith.muli %scan3A_175, %mul3A_221 : i32
      %add3A_223 = arith.constant 1 : i32
      %add3A_224 = arith.addi %mul3A_222, %add3A_223 : i32
      %mul3A_225 = arith.constant 32 : i32
      %mul3A_226 = arith.muli %add3A_224, %mul3A_225 : i32
      %mul3A_227 = arith.constant 8 : i32
      %mul3A_228 = arith.muli %select_n3A_30, %mul3A_227 : i32
      %add3A_229 = arith.addi %mul3A_226, %mul3A_228 : i32
      %multiple_of3A_230 = tpu.assume_multiple %add3A_229, 8 : i32
      %dma_start3A_231 = arith.constant 0 : i32
      %dma_start3A_232 = tpu.memref_slice %arg7[%dma_start3A_231, %multiple_of3A] : memref<8x2048xf32, #tpu.memory_space<vmem>> -> memref<8x1024xf32, #tpu.memory_space<vmem>>
      %dma_start3A_233 = arith.constant 0 : i32
      %dma_start3A_234 = tpu.memref_slice %arg3[%select_n3A, %multiple_of3A_230, %dma_start3A_233] : memref<8x1024x1024xf32, #tpu.memory_space<hbm>> -> memref<1x8x1024xf32, #tpu.memory_space<hbm>>
      %dma_start3A_235 = tpu.memref_squeeze %dma_start3A_234 : memref<1x8x1024xf32, #tpu.memory_space<hbm>> -> memref<8x1024xf32, #tpu.memory_space<hbm>>
      %dma_start3A_236 = arith.constant 0 : i32
      %dma_start3A_237 = tpu.memref_slice %arg3[%select_n3A, %multiple_of3A_230, %dma_start3A_236] : memref<8x1024x1024xf32, #tpu.memory_space<hbm>> -> memref<1x8x1024xf32, #tpu.memory_space<hbm>>
      %dma_start3A_238 = tpu.memref_squeeze %dma_start3A_237 : memref<1x8x1024xf32, #tpu.memory_space<hbm>> -> memref<8x1024xf32, #tpu.memory_space<hbm>>
      %dma_start3A_239 = arith.constant 0 : i32
      %dma_start3A_240 = tpu.memref_slice %arg7[%dma_start3A_239, %multiple_of3A] : memref<8x2048xf32, #tpu.memory_space<vmem>> -> memref<8x1024xf32, #tpu.memory_space<vmem>>
      tpu.enqueue_dma source(%dma_start3A_240 : memref<8x1024xf32, #tpu.memory_space<vmem>>) target(%dma_start3A_238 : memref<8x1024xf32, #tpu.memory_space<hbm>>) target_semaphore(%arg9 : memref<!tpu.dma_semaphore, #tpu.memory_space<semaphore_mem>>)
      %mul3A_241 = arith.constant 4 : i32
      %mul3A_242 = arith.muli %scan3A_175, %mul3A_241 : i32
      %add3A_243 = arith.constant 0 : i32
      %add3A_244 = arith.addi %mul3A_242, %add3A_243 : i32
      %mul3A_245 = arith.constant 32 : i32
      %mul3A_246 = arith.muli %add3A_244, %mul3A_245 : i32
      %mul3A_247 = arith.constant 8 : i32
      %mul3A_248 = arith.muli %select_n3A_30, %mul3A_247 : i32
      %add3A_249 = arith.addi %mul3A_246, %mul3A_248 : i32
      %multiple_of3A_250 = tpu.assume_multiple %add3A_249, 8 : i32
      %dma_start3A_251 = arith.constant 0 : i32
      %dma_start3A_252 = tpu.memref_slice %arg8[%dma_start3A_251, %multiple_of3A] : memref<8x2048xf32, #tpu.memory_space<vmem>> -> memref<8x1024xf32, #tpu.memory_space<vmem>>
      %dma_start3A_253 = arith.constant 0 : i32
      %dma_start3A_254 = tpu.memref_slice %arg3[%select_n3A, %multiple_of3A_250, %dma_start3A_253] : memref<8x1024x1024xf32, #tpu.memory_space<hbm>> -> memref<1x8x1024xf32, #tpu.memory_space<hbm>>
      %dma_start3A_255 = tpu.memref_squeeze %dma_start3A_254 : memref<1x8x1024xf32, #tpu.memory_space<hbm>> -> memref<8x1024xf32, #tpu.memory_space<hbm>>
      %dma_start3A_256 = arith.constant 0 : i32
      %dma_start3A_257 = tpu.memref_slice %arg3[%select_n3A, %multiple_of3A_250, %dma_start3A_256] : memref<8x1024x1024xf32, #tpu.memory_space<hbm>> -> memref<1x8x1024xf32, #tpu.memory_space<hbm>>
      %dma_start3A_258 = tpu.memref_squeeze %dma_start3A_257 : memref<1x8x1024xf32, #tpu.memory_space<hbm>> -> memref<8x1024xf32, #tpu.memory_space<hbm>>
      %dma_start3A_259 = arith.constant 0 : i32
      %dma_start3A_260 = tpu.memref_slice %arg8[%dma_start3A_259, %multiple_of3A] : memref<8x2048xf32, #tpu.memory_space<vmem>> -> memref<8x1024xf32, #tpu.memory_space<vmem>>
      tpu.enqueue_dma source(%dma_start3A_260 : memref<8x1024xf32, #tpu.memory_space<vmem>>) target(%dma_start3A_258 : memref<8x1024xf32, #tpu.memory_space<hbm>>) target_semaphore(%arg9 : memref<!tpu.dma_semaphore, #tpu.memory_space<semaphore_mem>>)
    }
    %scan3A_168 = arith.constant 8 : i32
    %scan3A_169 = arith.constant 0 : i32
    %scan3A_170 = arith.constant 0 : i32
    %scan3A_171 = arith.constant 32 : i32
    %scan3A_172 = arith.addi %scan3A_170, %scan3A_171 : i32
    %scan3A_173 = arith.constant 1 : i32
    scf.for %scan3A_175 = %scan3A_170 to %scan3A_172 step %scan3A_173  : i32 {
      %dma_wait3A = arith.constant 0 : i32
      %dma_wait3A_176 = arith.constant 0 : i32
      %dma_wait3A_177 = arith.constant 0 : i32
      %dma_wait3A_178 = tpu.memref_slice %arg5[%dma_wait3A_176, %dma_wait3A_177] : memref<8x2048xf32, #tpu.memory_space<vmem>> -> memref<8x1024xf32, #tpu.memory_space<vmem>>
      %dma_wait3A_179 = arith.constant 0 : i32
      %dma_wait3A_180 = arith.constant 0 : i32
      %dma_wait3A_181 = tpu.memref_slice %arg3[%dma_wait3A, %dma_wait3A_179, %dma_wait3A_180] : memref<8x1024x1024xf32, #tpu.memory_space<hbm>> -> memref<1x8x1024xf32, #tpu.memory_space<hbm>>
      %dma_wait3A_182 = tpu.memref_squeeze %dma_wait3A_181 : memref<1x8x1024xf32, #tpu.memory_space<hbm>> -> memref<8x1024xf32, #tpu.memory_space<hbm>>
      %dma_wait3A_183 = arith.constant 0 : i32
      %dma_wait3A_184 = arith.constant 0 : i32
      %dma_wait3A_185 = tpu.memref_slice %arg3[%dma_wait3A, %dma_wait3A_183, %dma_wait3A_184] : memref<8x1024x1024xf32, #tpu.memory_space<hbm>> -> memref<1x8x1024xf32, #tpu.memory_space<hbm>>
      %dma_wait3A_186 = tpu.memref_squeeze %dma_wait3A_185 : memref<1x8x1024xf32, #tpu.memory_space<hbm>> -> memref<8x1024xf32, #tpu.memory_space<hbm>>
      %dma_wait3A_187 = arith.constant 0 : i32
      %dma_wait3A_188 = arith.constant 0 : i32
      %dma_wait3A_189 = tpu.memref_slice %arg5[%dma_wait3A_187, %dma_wait3A_188] : memref<8x2048xf32, #tpu.memory_space<vmem>> -> memref<8x1024xf32, #tpu.memory_space<vmem>>
      tpu.wait_dma2 semaphore(%arg9 : memref<!tpu.dma_semaphore, #tpu.memory_space<semaphore_mem>>) src(%dma_wait3A_189 : memref<8x1024xf32, #tpu.memory_space<vmem>>) dst(%dma_wait3A_186 : memref<8x1024xf32, #tpu.memory_space<hbm>>)
    }
    %scan3A_174 = arith.constant 32 : i32
    return
  }
}

</mosaic_0001>

<sc_bundles>
// kernel: kernel.3.cloned.1.call-start
scs
__scs_entry_jumppad:
0x0: {  	(pc) =	sbr.rel $0x88, $3  }
0x1: {  	(tag) =	ssettag $0x0;
	lr =	simm.s32 $0x1  }
0x2: {  	[smem:$0x3FA0] =	sst lr;
	_ =	strace $0xD0000000  }
0x3: {  	_ = 	snop  }
0x4: {  	_ = 	snop  }
0x5: {  	_ = 	snop  }
0x6: {  	_ = 	snop  }
0x7: {  	_ = 	snop  }
__scs_overlays_trampoline_lowered:
0x8: {  	[smem:$0x3FAF] =	sst s0  }
0x9: {  	[smem:$0x3FB0] =	sst s1  }
0xa: {  	[smem:$0x3FB1] =	sst s2  }
0xb: {  	[smem:$0x3FB2] =	sst s3  }
0xc: {  	[smem:$0x3FB3] =	sst s4  }
0xd: {  	[smem:$0x3FB4] =	sst s5  }
0xe: {  	[smem:$0x3FB5] =	sst s6  }
0xf: {  	[smem:$0x3FB6] =	sst s7  }
0x10: {  	[smem:$0x3FB7] =	sst s8  }
0x11: {  	[smem:$0x3FB8] =	sst s9;
	s0 =	simm.s32 @!p0 $0x0  }
0x12: {  	s1 =	sld [smem:$0x3F9E];
	s0 =	simm.s32 @p0 $0x1  }
0x13: {  	[smem:$0x3FB9] =	sst s0;
	s0 =	simm.s32 @!p1 $0x0  }
0x14: {  	s2 =	sld [smem:$0x3F9D];
	s0 =	simm.s32 @p1 $0x1  }
0x15: {  	[smem:$0x3FBA] =	sst s0;
	s0 =	simm.s32 @!p2 $0x0  }
0x16: {  	s3 =	sld [smem:$0x3FDB];
	s0 =	simm.s32 @p2 $0x1  }
0x17: {  	s4 =	simm.s32 $0x1BF5;
	[smem:$0x3FBC] =	sst s0  }
0x18: {  	s0 =	sld [smem:$0x3F9F];
	_ =	swait.ge [sflag:s4], $0x0  }
0x19: {  	s7 =	sld [smem:$0x3FA0]  }
0x1a: {  	s8 =	sadd.s32 $0xFFFFE003, lr  }
0x1b: {  	s9 =	sadd.s32 $0xFFFFFEF7, lr;
	s5 =	simm.s32 $0xFFFFFFFF;
	p2 =	slt.u32 s8, $0xFFFFF086  }
0x1c: {  	p1 =	slt.u32 s9, $0xF7A;
	s5 =	simm.s32 @!p2 $0x0  }
0x1d: {  	s5 =	simm.s32 @p1 $0x1;
	p0 =	seq.s32 s7, s2  }
0x1e: {  	s7 =	smul.u32 @!p0 $0xF7A, s2;
	p2 =	seq.s32 @!p0 s5, $0x0  }
0x1f: {  	s9 =	smul.u32 $0xF7A, s1;
	s8 =	simm.s32 @!p0 $0x1BF5;
	p2 =	por !p2, p0  }
0x20: {  	[sflag:s8] =	ssyncset.s32 @!p0 $0xFFFFF086;
	s6 =	sadd.s32 @!p0 s3, s7;
	s7 =	simm.s32 @!p0 $0x108  }
0x21: {  	s3 =	sadd.s32 s3, s9;
	s6 =	sadd.s32 @!p0 $0x88, s6;
	s7 =	simm.s32 @p2 $0x1082  }
0x22: {  	[simem:s7], [sflag:s8] =	dma.local @!p0 [hbm:s6], $0xF7A  }
0x23: {  	s9 =	sor.u32 $0xD0000000, s2;
	s6 =	simm.s32 $0x108;
	_ =	swait.ge @!p0 [sflag:s8], $0x0  }
0x24: {  	s3 =	sadd.s32 $0x88, s3;
	s6 =	simm.s32 @!p1 $0x1082;
	[sflag:s4] =	ssyncset.s32 $0xFFFFF086  }
0x25: {  	[simem:s6], [sflag:s4] =	dma.local [hbm:s3], $0xF7A  }
0x26: {  	[smem:$0x3FA0] =	sst s1;
	(tag) =	ssettag s2;
	_ =	strace s9  }
0x27: {  	s1 =	sld [smem:$0x3FB0]  }
0x28: {  	s2 =	sld [smem:$0x3FB1]  }
0x29: {  	s4 =	sld [smem:$0x3FB3]  }
0x2a: {  	p0 =	seq.s32 s5, $0x0;
	s5 =	sld [smem:$0x3FB4]  }
0x2b: {  	s6 =	sld [smem:$0x3FB5]  }
0x2c: {  	s7 =	sld [smem:$0x3FB6]  }
0x2d: {  	s3 =	simm.s32 $0x108;
	s8 =	sld [smem:$0x3FB7]  }
0x2e: {  	s3 =	simm.s32 @!p0 $0x1082;
	s9 =	sld [smem:$0x3FB8]  }
0x2f: {  	lr =	sadd.s32 s0, s3;
	s0 =	sld [smem:$0x3FAF]  }
0x30: {  	s3 =	sld [smem:$0x3FB2]  }
0x31: {  	[smem:$0x3FBB] =	sst s10  }
0x32: {  	s10 =	sld [smem:$0x3FB9];
	_ =	sdelay $0x3  }
0x33: {  	p0 =	seq.s32 s10, $0x1;
	s10 =	sld [smem:$0x3FBB];
	_ =	sdelay $0x3  }
0x34: {  	[smem:$0x3FBB] =	sst s10  }
0x35: {  	s10 =	sld [smem:$0x3FBA];
	_ =	sdelay $0x3  }
0x36: {  	p1 =	seq.s32 s10, $0x1;
	s10 =	sld [smem:$0x3FBB];
	_ =	sdelay $0x3  }
0x37: {  	[smem:$0x3FBB] =	sst s10  }
0x38: {  	s10 =	sld [smem:$0x3FBC]  }
0x39: {  	_ = 	snop;
	(pc) =	sbr.ind lr, $3  }
0x3a: {  	_ = 	snop  }
0x3b: {  	_ = 	snop  }
0x3c: {  	p2 =	seq.s32 s10, $0x1;
	s10 =	sld [smem:$0x3FBB]  }
0x3d: {  	_ =	shalt  }
0x3e: {  	_ =	shalt  }
0x3f: {  	_ =	shalt  }
0x40: {  	_ =	shalt  }
0x41: {  	_ =	shalt  }
0x42: {  	_ =	shalt  }
0x43: {  	_ =	shalt  }
0x44: {  	_ =	shalt  }
0x45: {  	_ =	shalt  }
0x46: {  	_ =	shalt  }
0x47: {  	_ =	shalt  }
0x48: {  	_ =	shalt  }
0x49: {  	_ =	shalt  }
0x4a: {  	_ =	shalt  }
0x4b: {  	_ =	shalt  }
0x4c: {  	_ =	shalt  }
0x4d: {  	_ =	shalt  }
0x4e: {  	_ =	shalt  }
0x4f: {  	_ =	shalt  }
0x50: {  	_ =	shalt  }
0x51: {  	_ =	shalt  }
0x52: {  	_ =	shalt  }
0x53: {  	_ =	shalt  }
0x54: {  	_ =	shalt  }
0x55: {  	_ =	shalt  }
0x56: {  	_ =	shalt  }
0x57: {  	_ =	shalt  }
0x58: {  	_ =	shalt  }
0x59: {  	_ =	shalt  }
0x5a: {  	_ =	shalt  }
0x5b: {  	_ =	shalt  }
0x5c: {  	_ =	shalt  }
0x5d: {  	_ =	shalt  }
0x5e: {  	_ =	shalt  }
0x5f: {  	_ =	shalt  }
0x60: {  	_ =	shalt  }
0x61: {  	_ =	shalt  }
0x62: {  	_ =	shalt  }
0x63: {  	_ =	shalt  }
0x64: {  	_ =	shalt  }
0x65: {  	_ =	shalt  }
0x66: {  	_ =	shalt  }
0x67: {  	_ =	shalt  }
0x68: {  	_ =	shalt  }
0x69: {  	_ =	shalt  }
0x6a: {  	_ =	shalt  }
0x6b: {  	_ =	shalt  }
0x6c: {  	_ =	shalt  }
0x6d: {  	_ =	shalt  }
0x6e: {  	_ =	shalt  }
0x6f: {  	_ =	shalt  }
0x70: {  	_ =	shalt  }
0x71: {  	_ =	shalt  }
0x72: {  	_ =	shalt  }
0x73: {  	_ =	shalt  }
0x74: {  	_ =	shalt  }
0x75: {  	_ =	shalt  }
0x76: {  	_ =	shalt  }
0x77: {  	_ =	shalt  }
0x78: {  	_ =	shalt  }
0x79: {  	_ =	shalt  }
0x7a: {  	_ =	shalt  }
0x7b: {  	_ =	shalt  }
0x7c: {  	_ =	shalt  }
0x7d: {  	_ =	shalt  }
0x7e: {  	_ =	shalt  }
0x7f: {  	_ =	shalt  }
0x80: {  	_ =	shalt  }
0x81: {  	_ =	shalt  }
0x82: {  	_ =	shalt  }
0x83: {  	_ =	shalt  }
0x84: {  	_ =	shalt  }
0x85: {  	_ =	shalt  }
0x86: {  	_ =	shalt  }
0x87: {  	_ =	shalt  }
.Lfunc_end0:
.L_simem_size_0:
called_computation_lowered:
.L_overlay_start_0:
0x88: {  	s2 =	sld [smem:$0x3FD9]  }
0x89: {  	s3 =	sld [smem:$0x3FFE];
	_ =	sdelay $0x1  }
0x8a: {  	s1 =	srdreg.scid  }
0x8b: {  	s0 =	sand.u32 $0x1, s1  }
0x8c: {  	s17 =	sshll.u32 s0, $0xA;
	s2 =	sadd.s32 s3, s2  }
0x8d: {  	s2 =	sadd.s32 s2, s17  }
0x8e: {  	[smem:$0x3FC7] =	sst s2  }
0x8f: {  	_ = 	snop  }
0x90: {  	s2 =	sld [smem:$0x3FD0];
	(tm) =	ssettm $0x1  }
0x91: {  	s18 =	sld [smem:$0x3FFB];
	_ =	sdelay $0x3  }
0x92: {  	_ =	strace s18  }
0x93: {  	s3 =	sld [smem:$0x3FFC];
	_ =	sdelay $0x3  }
0x94: {  	_ =	strace s3  }
0x95: {  	s3 =	sld [smem:$0x3FFD];
	_ =	sdelay $0x3  }
0x96: {  	_ =	strace s3  }
0x97: {  	_ =	strace $0x8FFFFFFF  }
0x98: {  	s19 =	sld [smem:$0x3FDB];
	_ =	sdelay $0x1  }
0x99: {  	s4 =	simm.s32 $_scs_section_size  }
0x9a: {  	s5 =	simm.s32 $_size__tile_overlayer_lowered;
	s6 =	simm.s32 $_tile_overlayer_lowered  }
0x9b: {  	s22 =	simm.s32 $0x1BFF;
	s21 =	sshll.u32 s6, $0x1;
	s3 =	sadd.s32 s4, s19  }
0x9c: {  	s7 =	simm.s32 $0x0;
	s20 =	sshll.u32 s5, $0x1;
	s5 =	sadd.s32 s21, s3  }
0x9d: {  	[timem:s7], [sflag:s22] =	dma.local [hbm:s5], s20  }
0x9e: {  	_ =	swait.ge [sflag:s22], s20  }
0x9f: {  	s4 =	ssub.s32 $0x0, s20;
	[sflag:s22] =	ssyncset.done $0x0  }
0xa0: {  	[sflag:s22] =	ssyncadd.s32 s4;
	_ =	sdelay $0x1  }
0xa1: {  	s23 =	simm.s32 $0x1B8B  }
0xa2: {  	_ =	swait.ge [sflag:s23], $0x1  }
0xa3: {  	[sflag:s23] =	ssyncset.done $0x0  }
0xa4: {  	s25 =	simm.s32 $0x1B8E;
	s24 =	sld [smem:$0x3FFE];
	[sflag:s23] =	ssyncadd.s32 $0xFFFFFFFF  }
0xa5: {  	s26 =	simm.s32 $execute0_lowered;
	[smem:$0x3FD2] =	sst s25  }
0xa6: {  	s5 =	sshll.u32 s26, $0x1;
	_ =	strace $0x80000046;
	[dreg:$0x1] =	wrdreg $0xFFFFFFFF  }
0xa7: {  	s28 =	simm.s32 $_size_execute0_lowered;
	s3 =	sadd.s32 s3, s5;
	[dreg:$0x0] =	wrdreg $0x0  }
0xa8: {  	s5 =	sshll.u32 s28, $0x1;
	[dreg:$0x2] =	wrdreg s3  }
0xa9: {  	[dreg:$0x3] =	wrdreg s5  }
0xaa: {  	[dreg:$0x4] =	wrdreg $0xC0  }
0xab: {  	_ =	task [dreg:s7], $0x5FFFF  }
0xac: {  	[dreg:$0x1] =	wrdreg $0xFFFFFFFF  }
0xad: {  	[dreg:$0x0] =	wrdreg $0x60  }
0xae: {  	[dreg:$0x2] =	wrdreg s24  }
0xaf: {  	[dreg:$0x3] =	wrdreg s2  }
0xb0: {  	[dreg:$0x4] =	wrdreg $0x9  }
0xb1: {  	_ =	task.clear_ibuf [dreg:s7], $0x5FFFF;
	_ =	strace $0x90000046  }
0xb2: {  	s29 =	simm.s32 $0x9;
	_ =	strace $0x80000048  }
0xb3: {  	_ =	swait.ge [sflag:s29], $0x1  }
0xb4: {  	[sflag:s29] =	ssyncadd.s32 $0xFFFFFFFF  }
0xb5: {  	_ =	strace $0x90000048  }
0xb6: {  	_ =	sfence  }
0xb7: {  	s30 =	sld [smem:$0x0];
	_ =	sdelay $0x2  }
0xb8: {  	s31 =	sshll.u32 s1, $0xD;
	s1 =	sshrl.u32 s1, $0x2  }
0xb9: {  	s3 =	sand.u32 $0x4000, s31;
	s1 =	sadd.s32 s1, s30  }
0xba: {  	s0 =	sor.u32 s3, s0;
	s1 =	sshll.u32 s1, $0x11  }
0xbb: {  	s0 =	sor.u32 s1, s0  }
0xbc: {  	s0 =	sadd.s32 $0x8F2B, s0  }
0xbd: {  	[sflag:s0] =	ssyncadd.remote.s32 $0x1  }
0xbe: {  	_ =	sfence.sel $0xFFFF  }
0xbf: {  	[dreg:$0x0] =	wrdreg $0xFFFFFFFF;
	(pc) =	sbr.abs _section_cstart, $3  }
0xc0: {  	[dreg:$0x1] =	wrdreg $0xFFFFFFFF  }
0xc1: {  	_ =	task.clear_ibuf [dreg:s7], $0x2FFFF;
	_ =	strace $0x9FFFFFFF  }
0xc2: {  	(tm) =	ssettm $0x7FFFFFFF  }
0xc3: {  	_ =	shalt  }
tec
execute0_lowered:
.L_overlay_start_1:
0x0: {  	(tag) =	ssettag $0x1  }
0x1: {  	s0 =	rddreg [dreg:$0x0]  }
0x2: {  	s1 =	rddreg [dreg:$0x1]  }
0x3: {  	s2 =	simm.s32 $0x0;
	s3 =	srdreg.scid;
	s6 =	stileid.u32  }
0x4: {  	[smem:$0x7FF] =	sst s2;
	s3 =	sand.u32 $0x1, s3;
	s4 =	sshll.u32 s6, $0x1  }
0x5: {  	s0 =	sadd.s32 $0x400, s0;
	s16 =	sshrl.u32 s6, $0x1;
	s4 =	sand.u32 $0x2, s4  }
0x6: {  	_ =	strace $0x80000047;
	s5 =	ssub.s32 $0x2, s3;
	s3 =	sor.u32 s3, s4  }
0x7: {  	s19 =	sshll.u32 s16, $0x11;
	s18 =	sshrl.u32 s5, $0x1;
	s20 =	sshll.u32 s3, $0xA  }
0x8: {  	[dreg:$0x3] =	wrdreg s0;
	s0 =	ssub.s32 s5, s18;
	s4 =	sor.u32 s19, s20  }
0x9: {  	s0 =	smax.u32 s0, $0x1;
	s5 =	sadd.s32 s1, s4  }
0xa: {  	[dreg:$0x4] =	wrdreg s0;
	s21 =	sadd.s32 $0x3000, s5  }
0xb: {  	s22 =	sadd.s32 $0x2000, s5;
	[dreg:$0x5] =	wrdreg s21  }
0xc: {  	s17 =	sshll.u32 s3, $0x3;
	s23 =	sadd.s32 $0x1000, s5;
	[dreg:$0x6] =	wrdreg s22  }
0xd: {  	s10 =	sshllo.u32 s3, $0x3;
	s24 =	sadd.s32 $0x7000, s5;
	[dreg:$0x7] =	wrdreg s23  }
0xe: {  	s13 =	sor.u32 $0x1, s17;
	s25 =	sadd.s32 $0x6000, s5;
	[dreg:$0x8] =	wrdreg s24  }
0xf: {  	s14 =	sor.u32 $0x2, s17;
	s26 =	sadd.s32 $0x5000, s5;
	[dreg:$0x9] =	wrdreg s25  }
0x10: {  	s15 =	sor.u32 $0x3, s17;
	s1 =	sadd.s32 $0x4000, s5;
	[dreg:$0xa] =	wrdreg s26  }
0x11: {  	s9 =	sor.u32 $0x4, s17;
	s3 =	sadd.s32 $0xB000, s5;
	[dreg:$0xb] =	wrdreg s1  }
0x12: {  	s11 =	sor.u32 $0x5, s17;
	s4 =	sadd.s32 $0xA000, s5;
	[dreg:$0xc] =	wrdreg s3  }
0x13: {  	s12 =	sor.u32 $0x6, s17;
	s6 =	sadd.s32 $0x9000, s5;
	[dreg:$0xd] =	wrdreg s4  }
0x14: {  	v8 =	vmov s10;
	s10 =	simm.s32 $0x0;
	s7 =	sadd.s32 $0x8000, s5;
	[dreg:$0xe] =	wrdreg s6  }
0x15: {  	v5 =	vmov s9;
	s9 =	simm.s32 $0x1;
	s8 =	sadd.s32 $0xF000, s5;
	[dreg:$0xf] =	wrdreg s7  }
0x16: {  	s18 =	sadd.s32 $0xE000, s5;
	s19 =	sadd.s32 $0xD000, s5;
	[dreg:$0x10] =	wrdreg s8  }
0x17: {  	s20 =	sadd.s32 $0xC000, s5;
	s28 =	sadd.s32 $0x15000, s5;
	[dreg:$0x11] =	wrdreg s18  }
0x18: {  	s29 =	sadd.s32 $0x14000, s5;
	s30 =	sadd.s32 $0x1B000, s5;
	[dreg:$0x12] =	wrdreg s19  }
0x19: {  	s31 =	sadd.s32 $0x1A000, s5;
	[dreg:$0x13] =	wrdreg s20;
	s21 =	sadd.s32 $0x13000, s5  }
0x1a: {  	s0 =	sadd.s32 $0x19000, s5;
	s22 =	sadd.s32 $0x12000, s5;
	[dreg:$0x14] =	wrdreg s21  }
0x1b: {  	s23 =	sadd.s32 $0x11000, s5;
	s24 =	sadd.s32 $0x10000, s5;
	[dreg:$0x15] =	wrdreg s22  }
0x1c: {  	s25 =	sadd.s32 $0x17000, s5;
	s26 =	sadd.s32 $0x16000, s5;
	[dreg:$0x16] =	wrdreg s23  }
0x1d: {  	v9 =	vimm.f32 $0.0e+00;
	v10 =	vlaneseq.u32;
	v0 =	vmov s16;
	s1 =	sadd.s32 $0x18000, s5;
	s3 =	sadd.s32 $0x1F000, s5;
	[dreg:$0x17] =	wrdreg s24  }
0x1e: {  	v1 =	vmov s17;
	v2 =	vmov s13;
	v3 =	vmov s14;
	s4 =	sadd.s32 $0x1E000, s5;
	s6 =	sadd.s32 $0x1D000, s5;
	[dreg:$0x18] =	wrdreg s25  }
0x1f: {  	v4 =	vmov s15;
	v6 =	vmov s11;
	v7 =	vmov s12;
	s7 =	sadd.s32 $0x1C000, s5;
	s8 =	simm.s32 $0x2;
	[dreg:$0x19] =	wrdreg s26  }
.LBB2_1:
0x20: {  	s11 =	rddreg [dreg:$0x3]  }
0x21: {  	[tilespmem:s2], [sflag:$0x2] =	stream.linear.gather [hbm4b:s11+s2], $0x280, $0x38;
	[tilespmem:$0x10280] =	vst v63  }
0x22: {  	_ =	swait.ge [sflag:s8], $0x280  }
0x23: {  	s25 =	sand.u32 $0x70, s2;
	s12 =	sand.u32 $0x1C00, s2;
	[sflag:s8] =	ssyncset.done $0x0  }
0x24: {  	s12 =	sor.u32 s25, s12;
	[sflag:s8] =	ssyncadd.s32 $0xFFFFFD80  }
0x25: {  	[tilespmem:s12+$0x580] =	vst v9  }
0x26: {  	[tilespmem:s12+$0x500] =	vst v9  }
0x27: {  	[tilespmem:s12+$0x400] =	vst v9  }
0x28: {  	[tilespmem:s12+$0x380] =	vst v9  }
0x29: {  	s26 =	sor.u32 s2, s2;
	[tilespmem:s12+$0x300] =	vst v9  }
0x2a: {  	s14 =	simm.s32 $0x10;
	s13 =	sor.u32 $0x380, s26;
	s11 =	simm.s32 $0x80;
	[tilespmem:s12+$0x280] =	vst v9  }
.LBB2_2:
0x2b: {  	s15 =	sand.u32 $0x70, s14  }
0x2c: {  	s16 =	sand.u32 $0x1C00, s11;
	[tilespmem:s12+$0x480] =	vst v9;
	s17 =	smov.u32 s14;
	s18 =	sadd.s32 $0x10, s14  }
0x2d: {  	p0 =	sne.s32 s14, $0x2F0;
	s12 =	sor.u32 s15, s16;
	[tilespmem:s13+$0x280] =	vst v9  }
0x2e: {  	[tilespmem:s12+$0x580] =	vst v9  }
.Ltmp0:
0x2f: {  	[tilespmem:s12+$0x500] =	vst v9;
	(pc) =	sbr.rel @p0 .LBB2_2-.Ltmp0, $4  }
0x30: {  	[tilespmem:s12+$0x400] =	vst v9  }
0x31: {  	[tilespmem:s12+$0x380] =	vst v9  }
0x32: {  	s13 =	sor.u32 s11, s17;
	[tilespmem:s12+$0x300] =	vst v9  }
0x33: {  	s11 =	sadd.s32 $0x80, s11;
	s14 =	smov.u32 s18;
	s13 =	sor.u32 $0x380, s13;
	[tilespmem:s12+$0x280] =	vst v9  }
0x34: {  	s14 =	simm.s32 $0x4E0;
	s11 =	simm.s32 $0x2700  }
0x35: {  	[tilespmem:s12+$0x480] =	vst v9;
	s25 =	sand.u32 $0x70, s14;
	s26 =	sand.u32 $0x7C00, s11  }
0x36: {  	[tilespmem:s13+$0x280] =	vst v9;
	s12 =	sor.u32 s25, s26  }
0x37: {  	[tilespmem:s12+$0x300] =	vst v9  }
0x38: {  	[tilespmem:s12+$0x380] =	vst v9  }
0x39: {  	s13 =	simm.s32 $0x6;
	[tilespmem:s12+$0x400] =	vst v9  }
0x3a: {  	s14 =	simm.s32 $0x4F0;
	s15 =	sand.u32 $0x7, s13;
	[tilespmem:s12+$0x480] =	vst v9  }
.LBB2_4:
0x3b: {  	p0 =	sne.s32 s14, $0x770;
	s15 =	sshll.u32 s15, $0x4;
	[tilespmem:s12+$0x500] =	vst v9  }
0x3c: {  	s15 =	sadd.s32 s15, s11;
	[tilespmem:s12+$0x580] =	vst v9;
	s11 =	sadd.s32 $0x80, s11  }
0x3d: {  	s16 =	sand.u32 $0x70, s14;
	s17 =	sand.u32 $0x7C00, s11;
	[tilespmem:s12+$0x280] =	vst v9;
	s15 =	sor.u32 $0x380, s15  }
.Ltmp1:
0x3e: {  	s12 =	sor.u32 s16, s17;
	[tilespmem:s15+$0x280] =	vst v9;
	(pc) =	sbr.rel @p0 .LBB2_4-.Ltmp1, $4  }
0x3f: {  	[tilespmem:s12+$0x300] =	vst v9  }
0x40: {  	[tilespmem:s12+$0x380] =	vst v9  }
0x41: {  	s13 =	sadd.s32 $0x1, s13;
	[tilespmem:s12+$0x400] =	vst v9  }
0x42: {  	s14 =	sadd.s32 $0x10, s14;
	s15 =	sand.u32 $0x7, s13;
	[tilespmem:s12+$0x480] =	vst v9  }
0x43: {  	s13 =	sshll.u32 s15, $0x4;
	[tilespmem:s12+$0x500] =	vst v9  }
0x44: {  	[tilespmem:s12+$0x580] =	vst v9;
	s24 =	simm.s32 $0x0;
	s11 =	sadd.s32 s13, s11  }
0x45: {  	[tilespmem:s12+$0x280] =	vst v9;
	s25 =	sand.u32 $0x70, s24;
	s14 =	sand.u32 $0x1C00, s24;
	s11 =	sor.u32 $0x380, s11  }
0x46: {  	s12 =	sor.u32 s25, s14;
	[tilespmem:s11+$0x280] =	vst v9  }
0x47: {  	[tilespmem:s12+$0x4580] =	vst v9  }
0x48: {  	[tilespmem:s12+$0x4500] =	vst v9  }
0x49: {  	[tilespmem:s12+$0x4400] =	vst v9  }
0x4a: {  	[tilespmem:s12+$0x4380] =	vst v9  }
0x4b: {  	s26 =	sor.u32 s24, s24;
	[tilespmem:s12+$0x4300] =	vst v9  }
0x4c: {  	s14 =	simm.s32 $0x10;
	s13 =	sor.u32 $0x380, s26;
	s11 =	simm.s32 $0x80;
	[tilespmem:s12+$0x4280] =	vst v9  }
.LBB2_6:
0x4d: {  	s15 =	sand.u32 $0x70, s14  }
0x4e: {  	s16 =	sand.u32 $0x1C00, s11;
	[tilespmem:s12+$0x4480] =	vst v9;
	s17 =	smov.u32 s14;
	s18 =	sadd.s32 $0x10, s14  }
0x4f: {  	p0 =	sne.s32 s14, $0x2D0;
	s12 =	sor.u32 s15, s16;
	[tilespmem:s13+$0x4280] =	vst v9  }
0x50: {  	[tilespmem:s12+$0x4580] =	vst v9  }
.Ltmp2:
0x51: {  	[tilespmem:s12+$0x4500] =	vst v9;
	(pc) =	sbr.rel @p0 .LBB2_6-.Ltmp2, $4  }
0x52: {  	[tilespmem:s12+$0x4400] =	vst v9  }
0x53: {  	[tilespmem:s12+$0x4380] =	vst v9  }
0x54: {  	s13 =	sor.u32 s11, s17;
	[tilespmem:s12+$0x4300] =	vst v9  }
0x55: {  	s11 =	sadd.s32 $0x80, s11;
	s14 =	smov.u32 s18;
	s13 =	sor.u32 $0x380, s13;
	[tilespmem:s12+$0x4280] =	vst v9  }
0x56: {  	s14 =	simm.s32 $0x4C0;
	s11 =	simm.s32 $0x2600  }
0x57: {  	[tilespmem:s12+$0x4480] =	vst v9;
	s25 =	sand.u32 $0x70, s14;
	s26 =	sand.u32 $0x7C00, s11  }
0x58: {  	[tilespmem:s13+$0x4280] =	vst v9;
	s12 =	sor.u32 s25, s26  }
0x59: {  	[tilespmem:s12+$0x4300] =	vst v9  }
0x5a: {  	[tilespmem:s12+$0x4380] =	vst v9  }
0x5b: {  	s13 =	simm.s32 $0x4;
	[tilespmem:s12+$0x4400] =	vst v9  }
0x5c: {  	s14 =	simm.s32 $0x4D0;
	s15 =	sand.u32 $0x7, s13;
	[tilespmem:s12+$0x4480] =	vst v9  }
.LBB2_8:
0x5d: {  	p0 =	sne.s32 s14, $0x770;
	s15 =	sshll.u32 s15, $0x4;
	[tilespmem:s12+$0x4500] =	vst v9  }
0x5e: {  	s15 =	sadd.s32 s15, s11;
	[tilespmem:s12+$0x4580] =	vst v9;
	s11 =	sadd.s32 $0x80, s11  }
0x5f: {  	s16 =	sand.u32 $0x70, s14;
	s17 =	sand.u32 $0x7C00, s11;
	[tilespmem:s12+$0x4280] =	vst v9;
	s15 =	sor.u32 $0x380, s15  }
.Ltmp3:
0x60: {  	s12 =	sor.u32 s16, s17;
	[tilespmem:s15+$0x4280] =	vst v9;
	(pc) =	sbr.rel @p0 .LBB2_8-.Ltmp3, $4  }
0x61: {  	[tilespmem:s12+$0x4300] =	vst v9  }
0x62: {  	[tilespmem:s12+$0x4380] =	vst v9  }
0x63: {  	s13 =	sadd.s32 $0x1, s13;
	[tilespmem:s12+$0x4400] =	vst v9  }
0x64: {  	s14 =	sadd.s32 $0x10, s14;
	s15 =	sand.u32 $0x7, s13;
	[tilespmem:s12+$0x4480] =	vst v9  }
0x65: {  	s13 =	sshll.u32 s15, $0x4;
	[tilespmem:s12+$0x4500] =	vst v9  }
0x66: {  	[tilespmem:s12+$0x4580] =	vst v9;
	s24 =	simm.s32 $0x0;
	s11 =	sadd.s32 s13, s11  }
0x67: {  	[tilespmem:s12+$0x4280] =	vst v9;
	s25 =	sand.u32 $0x70, s24;
	s14 =	sand.u32 $0x1C00, s24;
	s11 =	sor.u32 $0x380, s11  }
0x68: {  	s12 =	sor.u32 s25, s14;
	[tilespmem:s11+$0x4280] =	vst v9  }
0x69: {  	[tilespmem:s12+$0x8580] =	vst v9  }
0x6a: {  	[tilespmem:s12+$0x8500] =	vst v9  }
0x6b: {  	[tilespmem:s12+$0x8400] =	vst v9  }
0x6c: {  	[tilespmem:s12+$0x8380] =	vst v9  }
0x6d: {  	s26 =	sor.u32 s24, s24;
	[tilespmem:s12+$0x8300] =	vst v9  }
0x6e: {  	s14 =	simm.s32 $0x10;
	s13 =	sor.u32 $0x380, s26;
	s11 =	simm.s32 $0x80;
	[tilespmem:s12+$0x8280] =	vst v9  }
.LBB2_10:
0x6f: {  	s15 =	sand.u32 $0x70, s14  }
0x70: {  	s16 =	sand.u32 $0x1C00, s11;
	[tilespmem:s12+$0x8480] =	vst v9;
	s17 =	smov.u32 s14;
	s18 =	sadd.s32 $0x10, s14  }
0x71: {  	p0 =	sne.s32 s14, $0x2B0;
	s12 =	sor.u32 s15, s16;
	[tilespmem:s13+$0x8280] =	vst v9  }
0x72: {  	[tilespmem:s12+$0x8580] =	vst v9  }
.Ltmp4:
0x73: {  	[tilespmem:s12+$0x8500] =	vst v9;
	(pc) =	sbr.rel @p0 .LBB2_10-.Ltmp4, $4  }
0x74: {  	[tilespmem:s12+$0x8400] =	vst v9  }
0x75: {  	[tilespmem:s12+$0x8380] =	vst v9  }
0x76: {  	s13 =	sor.u32 s11, s17;
	[tilespmem:s12+$0x8300] =	vst v9  }
0x77: {  	s11 =	sadd.s32 $0x80, s11;
	s14 =	smov.u32 s18;
	s13 =	sor.u32 $0x380, s13;
	[tilespmem:s12+$0x8280] =	vst v9  }
0x78: {  	s14 =	simm.s32 $0x4A0;
	s11 =	simm.s32 $0x2500  }
0x79: {  	[tilespmem:s12+$0x8480] =	vst v9;
	s25 =	sand.u32 $0x70, s14;
	s26 =	sand.u32 $0x7C00, s11  }
0x7a: {  	[tilespmem:s13+$0x8280] =	vst v9;
	s12 =	sor.u32 s25, s26  }
0x7b: {  	[tilespmem:s12+$0x8300] =	vst v9  }
0x7c: {  	[tilespmem:s12+$0x8380] =	vst v9  }
0x7d: {  	s13 =	simm.s32 $0x2;
	[tilespmem:s12+$0x8400] =	vst v9  }
0x7e: {  	s14 =	simm.s32 $0x4B0;
	s15 =	sand.u32 $0x7, s13;
	[tilespmem:s12+$0x8480] =	vst v9  }
.LBB2_12:
0x7f: {  	p0 =	sne.s32 s14, $0x770;
	s15 =	sshll.u32 s15, $0x4;
	[tilespmem:s12+$0x8500] =	vst v9  }
0x80: {  	s15 =	sadd.s32 s15, s11;
	[tilespmem:s12+$0x8580] =	vst v9;
	s11 =	sadd.s32 $0x80, s11  }
0x81: {  	s16 =	sand.u32 $0x70, s14;
	s17 =	sand.u32 $0x7C00, s11;
	[tilespmem:s12+$0x8280] =	vst v9;
	s15 =	sor.u32 $0x380, s15  }
.Ltmp5:
0x82: {  	s12 =	sor.u32 s16, s17;
	[tilespmem:s15+$0x8280] =	vst v9;
	(pc) =	sbr.rel @p0 .LBB2_12-.Ltmp5, $4  }
0x83: {  	[tilespmem:s12+$0x8300] =	vst v9  }
0x84: {  	[tilespmem:s12+$0x8380] =	vst v9  }
0x85: {  	s13 =	sadd.s32 $0x1, s13;
	[tilespmem:s12+$0x8400] =	vst v9  }
0x86: {  	s14 =	sadd.s32 $0x10, s14;
	s15 =	sand.u32 $0x7, s13;
	[tilespmem:s12+$0x8480] =	vst v9  }
0x87: {  	s13 =	sshll.u32 s15, $0x4;
	[tilespmem:s12+$0x8500] =	vst v9  }
0x88: {  	[tilespmem:s12+$0x8580] =	vst v9;
	s14 =	simm.s32 $0x0;
	s11 =	sadd.s32 s13, s11  }
0x89: {  	[tilespmem:s12+$0x8280] =	vst v9;
	s12 =	sand.u32 $0x1C00, s14;
	s13 =	sor.u32 $0x380, s11;
	s11 =	sand.u32 $0x70, s14  }
0x8a: {  	[tilespmem:s13+$0x8280] =	vst v9;
	s13 =	sor.u32 s11, s12  }
0x8b: {  	[tilespmem:s13+$0xC580] =	vst v9  }
0x8c: {  	[tilespmem:s13+$0xC500] =	vst v9  }
0x8d: {  	[tilespmem:s13+$0xC400] =	vst v9  }
0x8e: {  	[tilespmem:s13+$0xC380] =	vst v9  }
0x8f: {  	s14 =	sor.u32 s14, s14;
	[tilespmem:s13+$0xC300] =	vst v9  }
0x90: {  	s16 =	simm.s32 $0x10;
	s15 =	sor.u32 $0x380, s14;
	s14 =	simm.s32 $0x80;
	[tilespmem:s13+$0xC280] =	vst v9  }
.LBB2_14:
0x91: {  	s17 =	sand.u32 $0x70, s16  }
0x92: {  	s18 =	sand.u32 $0x1C00, s14;
	[tilespmem:s13+$0xC480] =	vst v9;
	s19 =	smov.u32 s16;
	s20 =	sadd.s32 $0x10, s16  }
0x93: {  	p0 =	sne.s32 s16, $0x290;
	s13 =	sor.u32 s17, s18;
	[tilespmem:s15+$0xC280] =	vst v9  }
0x94: {  	[tilespmem:s13+$0xC580] =	vst v9  }
.Ltmp6:
0x95: {  	[tilespmem:s13+$0xC500] =	vst v9;
	(pc) =	sbr.rel @p0 .LBB2_14-.Ltmp6, $4  }
0x96: {  	[tilespmem:s13+$0xC400] =	vst v9  }
0x97: {  	[tilespmem:s13+$0xC380] =	vst v9  }
0x98: {  	s15 =	sor.u32 s14, s19;
	[tilespmem:s13+$0xC300] =	vst v9  }
0x99: {  	s14 =	sadd.s32 $0x80, s14;
	s16 =	smov.u32 s20;
	s15 =	sor.u32 $0x380, s15;
	[tilespmem:s13+$0xC280] =	vst v9  }
0x9a: {  	[tilespmem:s13+$0xC480] =	vst v9  }
0x9b: {  	s11 =	sor.u32 s11, s12;
	[tilespmem:s15+$0xC280] =	vst v9  }
0x9c: {  	[tilespmem:s11+$0xEA00] =	vst v9  }
0x9d: {  	[tilespmem:s11+$0xE680] =	vst v9  }
0x9e: {  	[tilespmem:s11+$0xE700] =	vst v9  }
0x9f: {  	[tilespmem:s11+$0xE780] =	vst v9  }
0xa0: {  	[tilespmem:s11+$0xE800] =	vst v9  }
0xa1: {  	s26 =	simm.s32 $0x10;
	s12 =	simm.s32 $0x80;
	[tilespmem:s11+$0xE880] =	vst v9  }
0xa2: {  	s13 =	simm.s32 $0x20;
	s14 =	sand.u32 $0x70, s26;
	s15 =	sand.u32 $0x1C00, s12;
	[tilespmem:s11+$0xE900] =	vst v9  }
.LBB2_16:
0xa3: {  	p0 =	sne.s32 s13, $0x2F0;
	[tilespmem:s11+$0xE980] =	vst v9;
	s11 =	sor.u32 s14, s15  }
0xa4: {  	[tilespmem:s11+$0xEA00] =	vst v9  }
0xa5: {  	[tilespmem:s11+$0xE680] =	vst v9  }
.Ltmp7:
0xa6: {  	[tilespmem:s11+$0xE700] =	vst v9;
	(pc) =	sbr.rel @p0 .LBB2_16-.Ltmp7, $4  }
0xa7: {  	[tilespmem:s11+$0xE780] =	vst v9  }
0xa8: {  	[tilespmem:s11+$0xE800] =	vst v9  }
0xa9: {  	s12 =	sadd.s32 $0x80, s12;
	[tilespmem:s11+$0xE880] =	vst v9  }
0xaa: {  	s14 =	sand.u32 $0x70, s13;
	s13 =	sadd.s32 $0x10, s13;
	s15 =	sand.u32 $0x1C00, s12;
	[tilespmem:s11+$0xE900] =	vst v9  }
0xab: {  	s12 =	sor.u32 s14, s15;
	[tilespmem:s11+$0xE980] =	vst v9  }
0xac: {  	[tilespmem:s12+$0xEA00] =	vst v9  }
0xad: {  	[tilespmem:s12+$0xE680] =	vst v9  }
0xae: {  	p1 =	por $0x1, $0x1;
	[tilespmem:s12+$0xE700] =	vst v9  }
.Ltmp8:
0xaf: {  	s13 =	simm.s32 $0x0;
	[tilespmem:s12+$0xE780] =	vst v9;
	(pc) =	sbr.rel @!p1 .LBB2_18-.Ltmp8, $4  }
0xb0: {  	[tilespmem:s12+$0xE800] =	vst v9;
	v11 =	vmov s13;
	v12 =	vor.u32 s13, v10  }
0xb1: {  	[tilespmem:s12+$0xE880] =	vst v9;
	v11 =	vshrl.u32 v11, $0x5;
	v13 =	vand.u32 $0x1F, v12  }
0xb2: {  	[tilespmem:s12+$0xE900] =	vst v9;
	v11 =	vadd.s32 $0xFFFFFFF9, v11;
	v15 =	vsub.s32 v1, v13  }
0xb3: {  	p0 =	por $0x0, $0x0;
	[tilespmem:s12+$0xE980] =	vst v9;
	s12 =	simm.s32 $0x80;
	v12 =	vsub.s32 $0x0, v11;
	v17 =	vsub.s32 $0x0, v15  }
0xb4: {  	v14 =	vmin.u32 v11, v12;
	v15 =	vmin.u32 v15, v17  }
0xb5: {  	v14 =	vshll.u32 v14, $0x6;
	v16 =	vshll.u32 v15, $0x3  }
0xb6: {  	vm0 =	vlt.s32 v15, $0x8;
	v14 =	vadd.s32 v14, v16  }
0xb7: {  	v14 =	vnsel vm0, $0x200, v14  }
0xb8: {  	p3 =	por $0x1, $0x1;
	v14 =	vor.u32 v0, v14  }
.Ltmp9:
0xb9: {  	s11 =	simm.s32 $0x10;
	(pc) =	sbr.rel @!p3 .LBB2_20-.Ltmp9, $4  }
0xba: {  	v15 =	vmov s11;
	v16 =	vor.u32 s11, v10  }
0xbb: {  	v15 =	vshrl.u32 v15, $0x5;
	v17 =	vand.u32 $0x1F, v16  }
0xbc: {  	s16 =	simm.s32 $0x100;
	p2 =	por $0x1, $0x1;
	s17 =	simm.s32 $0x10;
	v16 =	vadd.s32 $0xFFFFFFF9, v15;
	v15 =	vsub.s32 v1, v17  }
0xbd: {  	s18 =	simm.s32 $0x0;
	s15 =	simm.s32 $0x0;
	s14 =	simm.s32 $0x80;
	v18 =	vsub.s32 $0x0, v16;
	v17 =	vsub.s32 $0x0, v15;
	v14 =	vld.idx.msk [tilespmem:v14+s13+$0x0], $0xffff  }
.LBB2_21:
0xbe: {  	p3 =	sne.s32 s16, $0xE80;
	v16 =	vmin.u32 v16, v18;
	v15 =	vmin.u32 v15, v17;
	s17 =	sadd.s32 $0x10, s17  }
0xbf: {  	s19 =	sand.u32 $0xC00, s18;
	s20 =	sadd.s32 $0x1700, s18;
	s21 =	sand.u32 $0x70, s15;
	v16 =	vshll.u32 v16, $0x6;
	v17 =	vshll.u32 v15, $0x3  }
0xc0: {  	s22 =	sadd.s32 $0x1600, s18;
	s18 =	sadd.s32 $0x1500, s18;
	s23 =	sadd.s32 $0x2E0, s15;
	vm0 =	vlt.s32 v15, $0x8;
	v15 =	vadd.s32 v16, v17  }
0xc1: {  	s24 =	sadd.s32 $0x2C0, s15;
	s15 =	sadd.s32 $0x2A0, s15;
	s20 =	sand.u32 $0x3C00, s20;
	v15 =	vnsel vm0, $0x200, v15  }
0xc2: {  	s19 =	sor.u32 s21, s19;
	s21 =	sand.u32 $0x70, s23;
	s22 =	sand.u32 $0x3C00, s22;
	v19 =	vor.u32 v0, v15  }
.Ltmp10:
0xc3: {  	[tilespmem:s19+$0x1A80] =	vst v14;
	s19 =	sor.u32 s21, s20;
	s20 =	sand.u32 $0x70, s24;
	(pc) =	sbr.rel @p3 .LBB2_21-.Ltmp10, $4  }
0xc4: {  	s15 =	sand.u32 $0x70, s15;
	s18 =	sand.u32 $0x3C00, s18;
	v16 =	vor.u32 s17, v10;
	v15 =	vmov s17;
	[tilespmem:s19+$0x4280] =	vst v14;
	s19 =	sor.u32 s20, s22  }
0xc5: {  	s18 =	sor.u32 s15, s18;
	s15 =	smov.u32 s11;
	s11 =	smov.u32 s17;
	v17 =	vand.u32 $0x1F, v16;
	v15 =	vshrl.u32 v15, $0x5;
	[tilespmem:s19+$0x8280] =	vst v14  }
0xc6: {  	v16 =	vadd.s32 $0xFFFFFFF9, v15;
	v15 =	vsub.s32 v1, v17;
	[tilespmem:s18+$0xC280] =	vst v14;
	s18 =	smov.u32 s14;
	s14 =	smov.u32 s16  }
0xc7: {  	v18 =	vsub.s32 $0x0, v16;
	v17 =	vsub.s32 $0x0, v15;
	s16 =	sadd.s32 $0x80, s16;
	v14 =	vld.idx.msk [tilespmem:v19+s13+$0x0], $0xffff  }
.LBB2_22:
0xc8: {  	v16 =	vmin.u32 v16, v18;
	v15 =	vmin.u32 v15, v17  }
0xc9: {  	s16 =	sand.u32 @p2 $0xC00, s18;
	s17 =	sadd.s32 @p2 $0x1700, s18;
	v16 =	vshll.u32 v16, $0x6;
	v17 =	vshll.u32 v15, $0x3  }
0xca: {  	s19 =	sand.u32 @p2 $0x70, s15;
	s20 =	sadd.s32 @p2 $0x1600, s18;
	s18 =	sadd.s32 @p2 $0x1500, s18;
	vm0 =	vlt.s32 v15, $0x8;
	v15 =	vadd.s32 v16, v17  }
0xcb: {  	s21 =	sadd.s32 @p2 $0x2E0, s15;
	s22 =	sadd.s32 @p2 $0x2C0, s15;
	s15 =	sadd.s32 @p2 $0x2A0, s15;
	v15 =	vnsel vm0, $0x200, v15  }
0xcc: {  	s17 =	sand.u32 @p2 $0x3C00, s17;
	s16 =	sor.u32 @p2 s19, s16;
	s19 =	sand.u32 @p2 $0x70, s21;
	v15 =	vor.u32 v0, v15  }
0xcd: {  	s20 =	sand.u32 @p2 $0x3C00, s20;
	[tilespmem:s16+$0x1A80] =	vst @p2 v14;
	s16 =	sor.u32 @p2 s19, s17;
	s17 =	sand.u32 @p2 $0x70, s22  }
0xce: {  	s15 =	sand.u32 @p2 $0x70, s15;
	[tilespmem:s16+$0x4280] =	vst @p2 v14;
	s16 =	sor.u32 @p2 s17, s20;
	s17 =	sand.u32 @p2 $0x3C00, s18  }
0xcf: {  	[tilespmem:s16+$0x8280] =	vst @p2 v14;
	s15 =	sor.u32 @p2 s15, s17  }
0xd0: {  	[tilespmem:s15+$0xC280] =	vst @p2 v14  }
0xd1: {  	v15 =	vld.idx.msk [tilespmem:v15+s13+$0x0], $0xffff  }
0xd2: {  	s23 =	sand.u32 $0xC00, s14;
	s24 =	sadd.s32 $0x1700, s14;
	s25 =	sand.u32 $0x70, s11  }
0xd3: {  	s26 =	sadd.s32 $0x1600, s14;
	s14 =	sadd.s32 $0x1500, s14;
	s21 =	sadd.s32 $0x2C0, s11  }
0xd4: {  	s20 =	sadd.s32 $0x2E0, s11;
	s18 =	sand.u32 $0x3C00, s26;
	s16 =	sand.u32 $0x3C00, s24  }
.Ltmp11:
0xd5: {  	s22 =	sand.u32 $0x70, s20;
	s15 =	sor.u32 s25, s23;
	(pc) =	sbr.rel @!p1 .LBB2_23-.Ltmp11, $4  }
0xd6: {  	s24 =	sand.u32 $0x70, s21;
	s23 =	sor.u32 s22, s16;
	s25 =	sadd.s32 $0x2A0, s11;
	[tilespmem:s15+$0x1A80] =	vst v15  }
0xd7: {  	s14 =	sand.u32 $0x3C00, s14;
	s26 =	sor.u32 s24, s18;
	s11 =	sand.u32 $0x70, s25;
	[tilespmem:s23+$0x4280] =	vst v15  }
0xd8: {  	v14 =	vsub.s32 v2, v13;
	s11 =	sor.u32 s11, s14;
	[tilespmem:s26+$0x8280] =	vst v15  }
0xd9: {  	[tilespmem:s11+$0xC280] =	vst v15;
	v15 =	vsub.s32 $0x0, v14  }
0xda: {  	v11 =	vmin.u32 v11, v12;
	v12 =	vmin.u32 v14, v15  }
0xdb: {  	v11 =	vshll.u32 v11, $0x6;
	v13 =	vshll.u32 v12, $0x3  }
0xdc: {  	vm0 =	vlt.s32 v12, $0x8;
	v11 =	vadd.s32 v11, v13  }
0xdd: {  	v11 =	vnsel vm0, $0x200, v11  }
0xde: {  	p1 =	por $0x1, $0x1;
	v13 =	vor.u32 v0, v11  }
.Ltmp12:
0xdf: {  	s14 =	simm.s32 $0x10;
	(pc) =	sbr.rel @!p1 .LBB2_25-.Ltmp12, $4  }
0xe0: {  	v12 =	vor.u32 s14, v10;
	v11 =	vmov s14  }
0xe1: {  	v12 =	vand.u32 $0x1F, v12;
	v11 =	vshrl.u32 v11, $0x5  }
0xe2: {  	s15 =	simm.s32 $0x0;
	s16 =	simm.s32 $0x100;
	v14 =	vsub.s32 v2, v12;
	v11 =	vadd.s32 $0xFFFFFFF9, v11  }
0xe3: {  	p0 =	por $0x1, $0x1;
	s17 =	simm.s32 $0x10;
	s11 =	simm.s32 $0x0;
	v15 =	vsub.s32 $0x0, v14;
	v12 =	vsub.s32 $0x0, v11;
	v13 =	vld.idx.msk [tilespmem:v13+s15+$0x0], $0xffff  }
.LBB2_26:
0xe4: {  	p1 =	sne.s32 s16, $0xE80;
	v11 =	vmin.u32 v11, v12;
	v12 =	vmin.u32 v14, v15;
	s17 =	sadd.s32 $0x10, s17  }
0xe5: {  	s18 =	sand.u32 $0xC00, s13;
	s19 =	sadd.s32 $0x1700, s13;
	s20 =	sand.u32 $0x70, s11;
	v11 =	vshll.u32 v11, $0x6;
	v14 =	vshll.u32 v12, $0x3  }
0xe6: {  	s21 =	sadd.s32 $0x1600, s13;
	s13 =	sadd.s32 $0x1500, s13;
	s22 =	sadd.s32 $0x2E0, s11;
	vm0 =	vlt.s32 v12, $0x8;
	v11 =	vadd.s32 v11, v14  }
0xe7: {  	s23 =	sadd.s32 $0x2C0, s11;
	s11 =	sadd.s32 $0x2A0, s11;
	s19 =	sand.u32 $0x3C00, s19;
	v11 =	vnsel vm0, $0x200, v11  }
0xe8: {  	s18 =	sor.u32 s20, s18;
	s20 =	sand.u32 $0x70, s22;
	s21 =	sand.u32 $0x3C00, s21;
	v16 =	vor.u32 v0, v11  }
.Ltmp13:
0xe9: {  	[tilespmem:s18+$0x1B00] =	vst v13;
	s18 =	sor.u32 s20, s19;
	s19 =	sand.u32 $0x70, s23;
	(pc) =	sbr.rel @p1 .LBB2_26-.Ltmp13, $4  }
0xea: {  	v12 =	vor.u32 s17, v10;
	s11 =	sand.u32 $0x70, s11;
	s13 =	sand.u32 $0x3C00, s13;
	v11 =	vmov s17;
	[tilespmem:s18+$0x4300] =	vst v13;
	s18 =	sor.u32 s19, s21  }
0xeb: {  	v12 =	vand.u32 $0x1F, v12;
	s13 =	sor.u32 s11, s13;
	s11 =	smov.u32 s14;
	s14 =	smov.u32 s17;
	v11 =	vshrl.u32 v11, $0x5;
	[tilespmem:s18+$0x8300] =	vst v13  }
0xec: {  	v14 =	vsub.s32 v2, v12;
	v11 =	vadd.s32 $0xFFFFFFF9, v11;
	[tilespmem:s13+$0xC300] =	vst v13;
	s13 =	smov.u32 s12;
	s12 =	smov.u32 s16  }
0xed: {  	v15 =	vsub.s32 $0x0, v14;
	v12 =	vsub.s32 $0x0, v11;
	s16 =	sadd.s32 $0x80, s16;
	v13 =	vld.idx.msk [tilespmem:v16+s15+$0x0], $0xffff  }
0xee: {  	s15 =	smov.u32 s13;
	s13 =	smov.u32 s14  }
.LBB2_28:
0xef: {  	v11 =	vmin.u32 v11, v12;
	v12 =	vmin.u32 v14, v15  }
0xf0: {  	s14 =	sand.u32 @p0 $0xC00, s15;
	s16 =	sadd.s32 @p0 $0x1700, s15;
	v11 =	vshll.u32 v11, $0x6;
	v14 =	vshll.u32 v12, $0x3  }
0xf1: {  	s17 =	sand.u32 @p0 $0x70, s11;
	s18 =	sadd.s32 @p0 $0x1600, s15;
	s15 =	sadd.s32 @p0 $0x1500, s15;
	vm0 =	vlt.s32 v12, $0x8;
	v11 =	vadd.s32 v11, v14  }
0xf2: {  	s19 =	sadd.s32 @p0 $0x2E0, s11;
	s20 =	sadd.s32 @p0 $0x2C0, s11;
	s11 =	sadd.s32 @p0 $0x2A0, s11;
	v11 =	vnsel vm0, $0x200, v11  }
0xf3: {  	s16 =	sand.u32 @p0 $0x3C00, s16;
	s14 =	sor.u32 @p0 s17, s14;
	s17 =	sand.u32 @p0 $0x70, s19;
	v11 =	vor.u32 v0, v11  }
0xf4: {  	s18 =	sand.u32 @p0 $0x3C00, s18;
	[tilespmem:s14+$0x1B00] =	vst @p0 v13;
	s14 =	sor.u32 @p0 s17, s16;
	s16 =	sand.u32 @p0 $0x70, s20  }
0xf5: {  	s11 =	sand.u32 @p0 $0x70, s11;
	s15 =	sand.u32 @p0 $0x3C00, s15;
	[tilespmem:s14+$0x4300] =	vst @p0 v13;
	s14 =	sor.u32 @p0 s16, s18  }
0xf6: {  	[tilespmem:s14+$0x8300] =	vst @p0 v13;
	s14 =	sor.u32 @p0 s11, s15  }
0xf7: {  	s11 =	simm.s32 $0x0;
	[tilespmem:s14+$0xC300] =	vst @p0 v13  }
0xf8: {  	s21 =	sadd.s32 $0x2C0, s13;
	v12 =	vld.idx.msk [tilespmem:v11+s11+$0x0], $0xffff  }
0xf9: {  	s25 =	sadd.s32 $0x2A0, s13;
	p1 =	por $0x1, $0x1;
	s19 =	sadd.s32 $0x1600, s12  }
0xfa: {  	s24 =	sand.u32 $0x70, s21;
	s17 =	sadd.s32 $0x1700, s12;
	s20 =	sadd.s32 $0x2E0, s13  }
0xfb: {  	s16 =	sand.u32 $0xC00, s12;
	s18 =	sand.u32 $0x70, s13;
	s22 =	sand.u32 $0x70, s20  }
.Ltmp14:
0xfc: {  	s15 =	sand.u32 $0x3C00, s17;
	s14 =	sor.u32 s18, s16;
	(pc) =	sbr.rel @!p1 .LBB2_29-.Ltmp14, $4  }
0xfd: {  	s12 =	sadd.s32 $0x1500, s12;
	s17 =	sand.u32 $0x3C00, s19;
	s23 =	sor.u32 s22, s15;
	v13 =	vor.u32 s11, v10;
	v11 =	vmov s11;
	[tilespmem:s14+$0x1B00] =	vst v12  }
0xfe: {  	s13 =	sand.u32 $0x70, s25;
	s12 =	sand.u32 $0x3C00, s12;
	s26 =	sor.u32 s24, s17;
	v13 =	vand.u32 $0x1F, v13;
	v11 =	vshrl.u32 v11, $0x5;
	[tilespmem:s23+$0x4300] =	vst v12  }
0xff: {  	s12 =	sor.u32 s13, s12;
	v15 =	vsub.s32 v3, v13;
	v11 =	vadd.s32 $0xFFFFFFF9, v11;
	[tilespmem:s26+$0x8300] =	vst v12  }
0x100: {  	s13 =	simm.s32 $0x80;
	p0 =	por $0x0, $0x0;
	v17 =	vsub.s32 $0x0, v15;
	[tilespmem:s12+$0xC300] =	vst v12;
	v12 =	vsub.s32 $0x0, v11  }
0x101: {  	v14 =	vmin.u32 v11, v12;
	v15 =	vmin.u32 v15, v17  }
0x102: {  	v14 =	vshll.u32 v14, $0x6;
	v16 =	vshll.u32 v15, $0x3  }
0x103: {  	vm0 =	vlt.s32 v15, $0x8;
	v14 =	vadd.s32 v14, v16  }
0x104: {  	v14 =	vnsel vm0, $0x200, v14  }
0x105: {  	p3 =	por $0x1, $0x1;
	v14 =	vor.u32 v0, v14  }
.Ltmp15:
0x106: {  	s12 =	simm.s32 $0x10;
	(pc) =	sbr.rel @!p3 .LBB2_31-.Ltmp15, $4  }
0x107: {  	v15 =	vmov s12;
	v16 =	vor.u32 s12, v10  }
0x108: {  	v15 =	vshrl.u32 v15, $0x5;
	v17 =	vand.u32 $0x1F, v16  }
0x109: {  	s16 =	simm.s32 $0x100;
	p2 =	por $0x1, $0x1;
	s17 =	simm.s32 $0x10;
	v16 =	vadd.s32 $0xFFFFFFF9, v15;
	v15 =	vsub.s32 v3, v17  }
0x10a: {  	s18 =	simm.s32 $0x0;
	s15 =	simm.s32 $0x0;
	s14 =	simm.s32 $0x80;
	v18 =	vsub.s32 $0x0, v16;
	v17 =	vsub.s32 $0x0, v15;
	v14 =	vld.idx.msk [tilespmem:v14+s11+$0x0], $0xffff  }
.LBB2_32:
0x10b: {  	p3 =	sne.s32 s16, $0xE80;
	v16 =	vmin.u32 v16, v18;
	v15 =	vmin.u32 v15, v17;
	s17 =	sadd.s32 $0x10, s17  }
0x10c: {  	s19 =	sand.u32 $0xC00, s18;
	s20 =	sadd.s32 $0x1700, s18;
	s21 =	sand.u32 $0x70, s15;
	v16 =	vshll.u32 v16, $0x6;
	v17 =	vshll.u32 v15, $0x3  }
0x10d: {  	s22 =	sadd.s32 $0x1600, s18;
	s18 =	sadd.s32 $0x1500, s18;
	s23 =	sadd.s32 $0x2E0, s15;
	vm0 =	vlt.s32 v15, $0x8;
	v15 =	vadd.s32 v16, v17  }
0x10e: {  	s24 =	sadd.s32 $0x2C0, s15;
	s15 =	sadd.s32 $0x2A0, s15;
	s20 =	sand.u32 $0x3C00, s20;
	v15 =	vnsel vm0, $0x200, v15  }
0x10f: {  	s19 =	sor.u32 s21, s19;
	s21 =	sand.u32 $0x70, s23;
	s22 =	sand.u32 $0x3C00, s22;
	v19 =	vor.u32 v0, v15  }
.Ltmp16:
0x110: {  	[tilespmem:s19+$0x1B80] =	vst v14;
	s19 =	sor.u32 s21, s20;
	s20 =	sand.u32 $0x70, s24;
	(pc) =	sbr.rel @p3 .LBB2_32-.Ltmp16, $4  }
0x111: {  	s15 =	sand.u32 $0x70, s15;
	s18 =	sand.u32 $0x3C00, s18;
	v16 =	vor.u32 s17, v10;
	v15 =	vmov s17;
	[tilespmem:s19+$0x4380] =	vst v14;
	s19 =	sor.u32 s20, s22  }
0x112: {  	s18 =	sor.u32 s15, s18;
	s15 =	smov.u32 s12;
	s12 =	smov.u32 s17;
	v17 =	vand.u32 $0x1F, v16;
	v15 =	vshrl.u32 v15, $0x5;
	[tilespmem:s19+$0x8380] =	vst v14  }
0x113: {  	v16 =	vadd.s32 $0xFFFFFFF9, v15;
	v15 =	vsub.s32 v3, v17;
	[tilespmem:s18+$0xC380] =	vst v14;
	s18 =	smov.u32 s14;
	s14 =	smov.u32 s16  }
0x114: {  	v18 =	vsub.s32 $0x0, v16;
	v17 =	vsub.s32 $0x0, v15;
	s16 =	sadd.s32 $0x80, s16;
	v14 =	vld.idx.msk [tilespmem:v19+s11+$0x0], $0xffff  }
.LBB2_33:
0x115: {  	v16 =	vmin.u32 v16, v18;
	v15 =	vmin.u32 v15, v17  }
0x116: {  	s16 =	sand.u32 @p2 $0xC00, s18;
	s17 =	sadd.s32 @p2 $0x1700, s18;
	v16 =	vshll.u32 v16, $0x6;
	v17 =	vshll.u32 v15, $0x3  }
0x117: {  	s19 =	sand.u32 @p2 $0x70, s15;
	s20 =	sadd.s32 @p2 $0x1600, s18;
	s18 =	sadd.s32 @p2 $0x1500, s18;
	vm0 =	vlt.s32 v15, $0x8;
	v15 =	vadd.s32 v16, v17  }
0x118: {  	s21 =	sadd.s32 @p2 $0x2E0, s15;
	s22 =	sadd.s32 @p2 $0x2C0, s15;
	s15 =	sadd.s32 @p2 $0x2A0, s15;
	v15 =	vnsel vm0, $0x200, v15  }
0x119: {  	s17 =	sand.u32 @p2 $0x3C00, s17;
	s16 =	sor.u32 @p2 s19, s16;
	s19 =	sand.u32 @p2 $0x70, s21;
	v15 =	vor.u32 v0, v15  }
0x11a: {  	s20 =	sand.u32 @p2 $0x3C00, s20;
	[tilespmem:s16+$0x1B80] =	vst @p2 v14;
	s16 =	sor.u32 @p2 s19, s17;
	s17 =	sand.u32 @p2 $0x70, s22  }
0x11b: {  	s15 =	sand.u32 @p2 $0x70, s15;
	[tilespmem:s16+$0x4380] =	vst @p2 v14;
	s16 =	sor.u32 @p2 s17, s20;
	s17 =	sand.u32 @p2 $0x3C00, s18  }
0x11c: {  	[tilespmem:s16+$0x8380] =	vst @p2 v14;
	s15 =	sor.u32 @p2 s15, s17  }
0x11d: {  	[tilespmem:s15+$0xC380] =	vst @p2 v14  }
0x11e: {  	v15 =	vld.idx.msk [tilespmem:v15+s11+$0x0], $0xffff  }
0x11f: {  	s23 =	sand.u32 $0xC00, s14;
	s24 =	sadd.s32 $0x1700, s14;
	s25 =	sand.u32 $0x70, s12  }
0x120: {  	s26 =	sadd.s32 $0x1600, s14;
	s14 =	sadd.s32 $0x1500, s14;
	s21 =	sadd.s32 $0x2C0, s12  }
0x121: {  	s20 =	sadd.s32 $0x2E0, s12;
	s18 =	sand.u32 $0x3C00, s26;
	s16 =	sand.u32 $0x3C00, s24  }
.Ltmp17:
0x122: {  	s22 =	sand.u32 $0x70, s20;
	s15 =	sor.u32 s25, s23;
	(pc) =	sbr.rel @!p1 .LBB2_34-.Ltmp17, $4  }
0x123: {  	s24 =	sand.u32 $0x70, s21;
	s23 =	sor.u32 s22, s16;
	s25 =	sadd.s32 $0x2A0, s12;
	[tilespmem:s15+$0x1B80] =	vst v15  }
0x124: {  	s14 =	sand.u32 $0x3C00, s14;
	s26 =	sor.u32 s24, s18;
	s12 =	sand.u32 $0x70, s25;
	[tilespmem:s23+$0x4380] =	vst v15  }
0x125: {  	v14 =	vsub.s32 v4, v13;
	s12 =	sor.u32 s12, s14;
	[tilespmem:s26+$0x8380] =	vst v15  }
0x126: {  	[tilespmem:s12+$0xC380] =	vst v15;
	v15 =	vsub.s32 $0x0, v14  }
0x127: {  	v11 =	vmin.u32 v11, v12;
	v12 =	vmin.u32 v14, v15  }
0x128: {  	v11 =	vshll.u32 v11, $0x6;
	v13 =	vshll.u32 v12, $0x3  }
0x129: {  	vm0 =	vlt.s32 v12, $0x8;
	v11 =	vadd.s32 v11, v13  }
0x12a: {  	v11 =	vnsel vm0, $0x200, v11  }
0x12b: {  	p1 =	por $0x1, $0x1;
	v13 =	vor.u32 v0, v11  }
.Ltmp18:
0x12c: {  	s14 =	simm.s32 $0x10;
	(pc) =	sbr.rel @!p1 .LBB2_36-.Ltmp18, $4  }
0x12d: {  	v12 =	vor.u32 s14, v10;
	v11 =	vmov s14  }
0x12e: {  	v12 =	vand.u32 $0x1F, v12;
	v11 =	vshrl.u32 v11, $0x5  }
0x12f: {  	s15 =	simm.s32 $0x0;
	s16 =	simm.s32 $0x100;
	v14 =	vsub.s32 v4, v12;
	v11 =	vadd.s32 $0xFFFFFFF9, v11  }
0x130: {  	p0 =	por $0x1, $0x1;
	s17 =	simm.s32 $0x10;
	s12 =	simm.s32 $0x0;
	v15 =	vsub.s32 $0x0, v14;
	v12 =	vsub.s32 $0x0, v11;
	v13 =	vld.idx.msk [tilespmem:v13+s15+$0x0], $0xffff  }
.LBB2_37:
0x131: {  	p1 =	sne.s32 s16, $0xE80;
	v11 =	vmin.u32 v11, v12;
	v12 =	vmin.u32 v14, v15;
	s17 =	sadd.s32 $0x10, s17  }
0x132: {  	s18 =	sand.u32 $0xC00, s11;
	s19 =	sadd.s32 $0x1700, s11;
	s20 =	sand.u32 $0x70, s12;
	v11 =	vshll.u32 v11, $0x6;
	v14 =	vshll.u32 v12, $0x3  }
0x133: {  	s21 =	sadd.s32 $0x1600, s11;
	s11 =	sadd.s32 $0x1500, s11;
	s22 =	sadd.s32 $0x2E0, s12;
	vm0 =	vlt.s32 v12, $0x8;
	v11 =	vadd.s32 v11, v14  }
0x134: {  	s23 =	sadd.s32 $0x2C0, s12;
	s12 =	sadd.s32 $0x2A0, s12;
	s19 =	sand.u32 $0x3C00, s19;
	v11 =	vnsel vm0, $0x200, v11  }
0x135: {  	s18 =	sor.u32 s20, s18;
	s20 =	sand.u32 $0x70, s22;
	s21 =	sand.u32 $0x3C00, s21;
	v16 =	vor.u32 v0, v11  }
.Ltmp19:
0x136: {  	[tilespmem:s18+$0x1C00] =	vst v13;
	s18 =	sor.u32 s20, s19;
	s19 =	sand.u32 $0x70, s23;
	(pc) =	sbr.rel @p1 .LBB2_37-.Ltmp19, $4  }
0x137: {  	v12 =	vor.u32 s17, v10;
	s12 =	sand.u32 $0x70, s12;
	s11 =	sand.u32 $0x3C00, s11;
	v11 =	vmov s17;
	[tilespmem:s18+$0x4400] =	vst v13;
	s18 =	sor.u32 s19, s21  }
0x138: {  	v12 =	vand.u32 $0x1F, v12;
	s11 =	sor.u32 s12, s11;
	s12 =	smov.u32 s14;
	s14 =	smov.u32 s17;
	v11 =	vshrl.u32 v11, $0x5;
	[tilespmem:s18+$0x8400] =	vst v13  }
0x139: {  	v14 =	vsub.s32 v4, v12;
	v11 =	vadd.s32 $0xFFFFFFF9, v11;
	[tilespmem:s11+$0xC400] =	vst v13;
	s11 =	smov.u32 s13;
	s13 =	smov.u32 s16  }
0x13a: {  	v15 =	vsub.s32 $0x0, v14;
	v12 =	vsub.s32 $0x0, v11;
	s16 =	sadd.s32 $0x80, s16;
	v13 =	vld.idx.msk [tilespmem:v16+s15+$0x0], $0xffff  }
0x13b: {  	s15 =	smov.u32 s11;
	s11 =	smov.u32 s14  }
.LBB2_39:
0x13c: {  	v11 =	vmin.u32 v11, v12;
	v12 =	vmin.u32 v14, v15  }
0x13d: {  	s14 =	sand.u32 @p0 $0xC00, s15;
	s16 =	sadd.s32 @p0 $0x1700, s15;
	v11 =	vshll.u32 v11, $0x6;
	v14 =	vshll.u32 v12, $0x3  }
0x13e: {  	s17 =	sand.u32 @p0 $0x70, s12;
	s18 =	sadd.s32 @p0 $0x1600, s15;
	s15 =	sadd.s32 @p0 $0x1500, s15;
	vm0 =	vlt.s32 v12, $0x8;
	v11 =	vadd.s32 v11, v14  }
0x13f: {  	s19 =	sadd.s32 @p0 $0x2E0, s12;
	s20 =	sadd.s32 @p0 $0x2C0, s12;
	s12 =	sadd.s32 @p0 $0x2A0, s12;
	v11 =	vnsel vm0, $0x200, v11  }
0x140: {  	s16 =	sand.u32 @p0 $0x3C00, s16;
	s14 =	sor.u32 @p0 s17, s14;
	s17 =	sand.u32 @p0 $0x70, s19;
	v11 =	vor.u32 v0, v11  }
0x141: {  	s18 =	sand.u32 @p0 $0x3C00, s18;
	[tilespmem:s14+$0x1C00] =	vst @p0 v13;
	s14 =	sor.u32 @p0 s17, s16;
	s16 =	sand.u32 @p0 $0x70, s20  }
0x142: {  	s12 =	sand.u32 @p0 $0x70, s12;
	s15 =	sand.u32 @p0 $0x3C00, s15;
	[tilespmem:s14+$0x4400] =	vst @p0 v13;
	s14 =	sor.u32 @p0 s16, s18  }
0x143: {  	[tilespmem:s14+$0x8400] =	vst @p0 v13;
	s14 =	sor.u32 @p0 s12, s15  }
0x144: {  	s12 =	simm.s32 $0x0;
	[tilespmem:s14+$0xC400] =	vst @p0 v13  }
0x145: {  	s21 =	sadd.s32 $0x2C0, s11;
	v12 =	vld.idx.msk [tilespmem:v11+s12+$0x0], $0xffff  }
0x146: {  	s25 =	sadd.s32 $0x2A0, s11;
	p1 =	por $0x1, $0x1;
	s19 =	sadd.s32 $0x1600, s13  }
0x147: {  	s24 =	sand.u32 $0x70, s21;
	s17 =	sadd.s32 $0x1700, s13;
	s20 =	sadd.s32 $0x2E0, s11  }
0x148: {  	s16 =	sand.u32 $0xC00, s13;
	s18 =	sand.u32 $0x70, s11;
	s22 =	sand.u32 $0x70, s20  }
.Ltmp20:
0x149: {  	s15 =	sand.u32 $0x3C00, s17;
	s14 =	sor.u32 s18, s16;
	(pc) =	sbr.rel @!p1 .LBB2_40-.Ltmp20, $4  }
0x14a: {  	s13 =	sadd.s32 $0x1500, s13;
	s17 =	sand.u32 $0x3C00, s19;
	s23 =	sor.u32 s22, s15;
	v13 =	vor.u32 s12, v10;
	v11 =	vmov s12;
	[tilespmem:s14+$0x1C00] =	vst v12  }
0x14b: {  	s11 =	sand.u32 $0x70, s25;
	s13 =	sand.u32 $0x3C00, s13;
	s26 =	sor.u32 s24, s17;
	v13 =	vand.u32 $0x1F, v13;
	v11 =	vshrl.u32 v11, $0x5;
	[tilespmem:s23+$0x4400] =	vst v12  }
0x14c: {  	s11 =	sor.u32 s11, s13;
	v15 =	vsub.s32 v5, v13;
	v11 =	vadd.s32 $0xFFFFFFF9, v11;
	[tilespmem:s26+$0x8400] =	vst v12  }
0x14d: {  	p0 =	por $0x0, $0x0;
	v17 =	vsub.s32 $0x0, v15;
	[tilespmem:s11+$0xC400] =	vst v12;
	v12 =	vsub.s32 $0x0, v11;
	s11 =	simm.s32 $0x80  }
0x14e: {  	v14 =	vmin.u32 v11, v12;
	v15 =	vmin.u32 v15, v17  }
0x14f: {  	v14 =	vshll.u32 v14, $0x6;
	v16 =	vshll.u32 v15, $0x3  }
0x150: {  	vm0 =	vlt.s32 v15, $0x8;
	v14 =	vadd.s32 v14, v16  }
0x151: {  	v14 =	vnsel vm0, $0x200, v14  }
0x152: {  	p3 =	por $0x1, $0x1;
	v14 =	vor.u32 v0, v14  }
.Ltmp21:
0x153: {  	s13 =	simm.s32 $0x10;
	(pc) =	sbr.rel @!p3 .LBB2_42-.Ltmp21, $4  }
0x154: {  	v15 =	vmov s13;
	v16 =	vor.u32 s13, v10  }
0x155: {  	v15 =	vshrl.u32 v15, $0x5;
	v17 =	vand.u32 $0x1F, v16  }
0x156: {  	s16 =	simm.s32 $0x100;
	p2 =	por $0x1, $0x1;
	s17 =	simm.s32 $0x10;
	v16 =	vadd.s32 $0xFFFFFFF9, v15;
	v15 =	vsub.s32 v5, v17  }
0x157: {  	s18 =	simm.s32 $0x0;
	s15 =	simm.s32 $0x0;
	s14 =	simm.s32 $0x80;
	v18 =	vsub.s32 $0x0, v16;
	v17 =	vsub.s32 $0x0, v15;
	v14 =	vld.idx.msk [tilespmem:v14+s12+$0x0], $0xffff  }
.LBB2_43:
0x158: {  	p3 =	sne.s32 s16, $0xE80;
	v16 =	vmin.u32 v16, v18;
	v15 =	vmin.u32 v15, v17;
	s17 =	sadd.s32 $0x10, s17  }
0x159: {  	s19 =	sand.u32 $0xC00, s18;
	s20 =	sadd.s32 $0x1700, s18;
	s21 =	sand.u32 $0x70, s15;
	v16 =	vshll.u32 v16, $0x6;
	v17 =	vshll.u32 v15, $0x3  }
0x15a: {  	s22 =	sadd.s32 $0x1600, s18;
	s18 =	sadd.s32 $0x1500, s18;
	s23 =	sadd.s32 $0x2E0, s15;
	vm0 =	vlt.s32 v15, $0x8;
	v15 =	vadd.s32 v16, v17  }
0x15b: {  	s24 =	sadd.s32 $0x2C0, s15;
	s15 =	sadd.s32 $0x2A0, s15;
	s20 =	sand.u32 $0x3C00, s20;
	v15 =	vnsel vm0, $0x200, v15  }
0x15c: {  	s19 =	sor.u32 s21, s19;
	s21 =	sand.u32 $0x70, s23;
	s22 =	sand.u32 $0x3C00, s22;
	v19 =	vor.u32 v0, v15  }
.Ltmp22:
0x15d: {  	[tilespmem:s19+$0x1C80] =	vst v14;
	s19 =	sor.u32 s21, s20;
	s20 =	sand.u32 $0x70, s24;
	(pc) =	sbr.rel @p3 .LBB2_43-.Ltmp22, $4  }
0x15e: {  	s15 =	sand.u32 $0x70, s15;
	s18 =	sand.u32 $0x3C00, s18;
	v16 =	vor.u32 s17, v10;
	v15 =	vmov s17;
	[tilespmem:s19+$0x4480] =	vst v14;
	s19 =	sor.u32 s20, s22  }
0x15f: {  	s18 =	sor.u32 s15, s18;
	s15 =	smov.u32 s13;
	s13 =	smov.u32 s17;
	v17 =	vand.u32 $0x1F, v16;
	v15 =	vshrl.u32 v15, $0x5;
	[tilespmem:s19+$0x8480] =	vst v14  }
0x160: {  	v16 =	vadd.s32 $0xFFFFFFF9, v15;
	v15 =	vsub.s32 v5, v17;
	[tilespmem:s18+$0xC480] =	vst v14;
	s18 =	smov.u32 s14;
	s14 =	smov.u32 s16  }
0x161: {  	v18 =	vsub.s32 $0x0, v16;
	v17 =	vsub.s32 $0x0, v15;
	s16 =	sadd.s32 $0x80, s16;
	v14 =	vld.idx.msk [tilespmem:v19+s12+$0x0], $0xffff  }
.LBB2_44:
0x162: {  	v16 =	vmin.u32 v16, v18;
	v15 =	vmin.u32 v15, v17  }
0x163: {  	s16 =	sand.u32 @p2 $0xC00, s18;
	s17 =	sadd.s32 @p2 $0x1700, s18;
	v16 =	vshll.u32 v16, $0x6;
	v17 =	vshll.u32 v15, $0x3  }
0x164: {  	s19 =	sand.u32 @p2 $0x70, s15;
	s20 =	sadd.s32 @p2 $0x1600, s18;
	s18 =	sadd.s32 @p2 $0x1500, s18;
	vm0 =	vlt.s32 v15, $0x8;
	v15 =	vadd.s32 v16, v17  }
0x165: {  	s21 =	sadd.s32 @p2 $0x2E0, s15;
	s22 =	sadd.s32 @p2 $0x2C0, s15;
	s15 =	sadd.s32 @p2 $0x2A0, s15;
	v15 =	vnsel vm0, $0x200, v15  }
0x166: {  	s17 =	sand.u32 @p2 $0x3C00, s17;
	s16 =	sor.u32 @p2 s19, s16;
	s19 =	sand.u32 @p2 $0x70, s21;
	v15 =	vor.u32 v0, v15  }
0x167: {  	s20 =	sand.u32 @p2 $0x3C00, s20;
	[tilespmem:s16+$0x1C80] =	vst @p2 v14;
	s16 =	sor.u32 @p2 s19, s17;
	s17 =	sand.u32 @p2 $0x70, s22  }
0x168: {  	s15 =	sand.u32 @p2 $0x70, s15;
	[tilespmem:s16+$0x4480] =	vst @p2 v14;
	s16 =	sor.u32 @p2 s17, s20;
	s17 =	sand.u32 @p2 $0x3C00, s18  }
0x169: {  	[tilespmem:s16+$0x8480] =	vst @p2 v14;
	s15 =	sor.u32 @p2 s15, s17  }
0x16a: {  	[tilespmem:s15+$0xC480] =	vst @p2 v14  }
0x16b: {  	v15 =	vld.idx.msk [tilespmem:v15+s12+$0x0], $0xffff  }
0x16c: {  	s23 =	sand.u32 $0xC00, s14;
	s24 =	sadd.s32 $0x1700, s14;
	s25 =	sand.u32 $0x70, s13  }
0x16d: {  	s26 =	sadd.s32 $0x1600, s14;
	s14 =	sadd.s32 $0x1500, s14;
	s21 =	sadd.s32 $0x2C0, s13  }
0x16e: {  	s20 =	sadd.s32 $0x2E0, s13;
	s18 =	sand.u32 $0x3C00, s26;
	s16 =	sand.u32 $0x3C00, s24  }
.Ltmp23:
0x16f: {  	s22 =	sand.u32 $0x70, s20;
	s15 =	sor.u32 s25, s23;
	(pc) =	sbr.rel @!p1 .LBB2_45-.Ltmp23, $4  }
0x170: {  	s24 =	sand.u32 $0x70, s21;
	s23 =	sor.u32 s22, s16;
	s25 =	sadd.s32 $0x2A0, s13;
	[tilespmem:s15+$0x1C80] =	vst v15  }
0x171: {  	s14 =	sand.u32 $0x3C00, s14;
	s26 =	sor.u32 s24, s18;
	s13 =	sand.u32 $0x70, s25;
	[tilespmem:s23+$0x4480] =	vst v15  }
0x172: {  	v14 =	vsub.s32 v6, v13;
	s13 =	sor.u32 s13, s14;
	[tilespmem:s26+$0x8480] =	vst v15  }
0x173: {  	[tilespmem:s13+$0xC480] =	vst v15;
	v15 =	vsub.s32 $0x0, v14  }
0x174: {  	v11 =	vmin.u32 v11, v12;
	v12 =	vmin.u32 v14, v15  }
0x175: {  	v11 =	vshll.u32 v11, $0x6;
	v13 =	vshll.u32 v12, $0x3  }
0x176: {  	vm0 =	vlt.s32 v12, $0x8;
	v11 =	vadd.s32 v11, v13  }
0x177: {  	v11 =	vnsel vm0, $0x200, v11  }
0x178: {  	p1 =	por $0x1, $0x1;
	v13 =	vor.u32 v0, v11  }
.Ltmp24:
0x179: {  	s14 =	simm.s32 $0x10;
	(pc) =	sbr.rel @!p1 .LBB2_47-.Ltmp24, $4  }
0x17a: {  	v12 =	vor.u32 s14, v10;
	v11 =	vmov s14  }
0x17b: {  	v12 =	vand.u32 $0x1F, v12;
	v11 =	vshrl.u32 v11, $0x5  }
0x17c: {  	s15 =	simm.s32 $0x0;
	s16 =	simm.s32 $0x100;
	v14 =	vsub.s32 v6, v12;
	v11 =	vadd.s32 $0xFFFFFFF9, v11  }
0x17d: {  	p0 =	por $0x1, $0x1;
	s17 =	simm.s32 $0x10;
	s13 =	simm.s32 $0x0;
	v15 =	vsub.s32 $0x0, v14;
	v12 =	vsub.s32 $0x0, v11;
	v13 =	vld.idx.msk [tilespmem:v13+s15+$0x0], $0xffff  }
.LBB2_48:
0x17e: {  	p1 =	sne.s32 s16, $0xE80;
	v11 =	vmin.u32 v11, v12;
	v12 =	vmin.u32 v14, v15;
	s17 =	sadd.s32 $0x10, s17  }
0x17f: {  	s18 =	sand.u32 $0xC00, s12;
	s19 =	sadd.s32 $0x1700, s12;
	s20 =	sand.u32 $0x70, s13;
	v11 =	vshll.u32 v11, $0x6;
	v14 =	vshll.u32 v12, $0x3  }
0x180: {  	s21 =	sadd.s32 $0x1600, s12;
	s12 =	sadd.s32 $0x1500, s12;
	s22 =	sadd.s32 $0x2E0, s13;
	vm0 =	vlt.s32 v12, $0x8;
	v11 =	vadd.s32 v11, v14  }
0x181: {  	s23 =	sadd.s32 $0x2C0, s13;
	s13 =	sadd.s32 $0x2A0, s13;
	s19 =	sand.u32 $0x3C00, s19;
	v11 =	vnsel vm0, $0x200, v11  }
0x182: {  	s18 =	sor.u32 s20, s18;
	s20 =	sand.u32 $0x70, s22;
	s21 =	sand.u32 $0x3C00, s21;
	v16 =	vor.u32 v0, v11  }
.Ltmp25:
0x183: {  	[tilespmem:s18+$0x1D00] =	vst v13;
	s18 =	sor.u32 s20, s19;
	s19 =	sand.u32 $0x70, s23;
	(pc) =	sbr.rel @p1 .LBB2_48-.Ltmp25, $4  }
0x184: {  	v12 =	vor.u32 s17, v10;
	s13 =	sand.u32 $0x70, s13;
	s12 =	sand.u32 $0x3C00, s12;
	v11 =	vmov s17;
	[tilespmem:s18+$0x4500] =	vst v13;
	s18 =	sor.u32 s19, s21  }
0x185: {  	v12 =	vand.u32 $0x1F, v12;
	s12 =	sor.u32 s13, s12;
	s13 =	smov.u32 s14;
	s14 =	smov.u32 s17;
	v11 =	vshrl.u32 v11, $0x5;
	[tilespmem:s18+$0x8500] =	vst v13  }
0x186: {  	v14 =	vsub.s32 v6, v12;
	v11 =	vadd.s32 $0xFFFFFFF9, v11;
	[tilespmem:s12+$0xC500] =	vst v13;
	s12 =	smov.u32 s11;
	s11 =	smov.u32 s16  }
0x187: {  	v15 =	vsub.s32 $0x0, v14;
	v12 =	vsub.s32 $0x0, v11;
	s16 =	sadd.s32 $0x80, s16;
	v13 =	vld.idx.msk [tilespmem:v16+s15+$0x0], $0xffff  }
0x188: {  	s15 =	smov.u32 s12;
	s12 =	smov.u32 s14  }
.LBB2_50:
0x189: {  	v11 =	vmin.u32 v11, v12;
	v12 =	vmin.u32 v14, v15  }
0x18a: {  	s14 =	sand.u32 @p0 $0xC00, s15;
	s16 =	sadd.s32 @p0 $0x1700, s15;
	v11 =	vshll.u32 v11, $0x6;
	v14 =	vshll.u32 v12, $0x3  }
0x18b: {  	s17 =	sand.u32 @p0 $0x70, s13;
	s18 =	sadd.s32 @p0 $0x1600, s15;
	s15 =	sadd.s32 @p0 $0x1500, s15;
	vm0 =	vlt.s32 v12, $0x8;
	v11 =	vadd.s32 v11, v14  }
0x18c: {  	s19 =	sadd.s32 @p0 $0x2E0, s13;
	s20 =	sadd.s32 @p0 $0x2C0, s13;
	s13 =	sadd.s32 @p0 $0x2A0, s13;
	v11 =	vnsel vm0, $0x200, v11  }
0x18d: {  	s16 =	sand.u32 @p0 $0x3C00, s16;
	s14 =	sor.u32 @p0 s17, s14;
	s17 =	sand.u32 @p0 $0x70, s19;
	v11 =	vor.u32 v0, v11  }
0x18e: {  	s18 =	sand.u32 @p0 $0x3C00, s18;
	[tilespmem:s14+$0x1D00] =	vst @p0 v13;
	s14 =	sor.u32 @p0 s17, s16;
	s16 =	sand.u32 @p0 $0x70, s20  }
0x18f: {  	s13 =	sand.u32 @p0 $0x70, s13;
	s15 =	sand.u32 @p0 $0x3C00, s15;
	[tilespmem:s14+$0x4500] =	vst @p0 v13;
	s14 =	sor.u32 @p0 s16, s18  }
0x190: {  	s13 =	sor.u32 @p0 s13, s15;
	[tilespmem:s14+$0x8500] =	vst @p0 v13  }
0x191: {  	s19 =	simm.s32 $0x0;
	[tilespmem:s13+$0xC500] =	vst @p0 v13  }
0x192: {  	s21 =	sadd.s32 $0x2C0, s12;
	v12 =	vld.idx.msk [tilespmem:v11+s19+$0x0], $0xffff  }
0x193: {  	s25 =	sadd.s32 $0x2A0, s12;
	p1 =	por $0x1, $0x1;
	s24 =	sand.u32 $0x70, s21  }
0x194: {  	s15 =	sand.u32 $0xC00, s11;
	s17 =	sand.u32 $0x70, s12;
	s20 =	sadd.s32 $0x2E0, s12  }
0x195: {  	s16 =	sadd.s32 $0x1700, s11;
	s18 =	sadd.s32 $0x1600, s11;
	s22 =	sand.u32 $0x70, s20  }
.Ltmp26:
0x196: {  	s14 =	sand.u32 $0x3C00, s16;
	s13 =	sor.u32 s17, s15;
	(pc) =	sbr.rel @!p1 .LBB2_51-.Ltmp26, $4  }
0x197: {  	s11 =	sadd.s32 $0x1500, s11;
	s16 =	sand.u32 $0x3C00, s18;
	s23 =	sor.u32 s22, s14;
	v13 =	vor.u32 s19, v10;
	v11 =	vmov s19;
	[tilespmem:s13+$0x1D00] =	vst v12  }
0x198: {  	s12 =	sand.u32 $0x70, s25;
	s11 =	sand.u32 $0x3C00, s11;
	s26 =	sor.u32 s24, s16;
	v13 =	vand.u32 $0x1F, v13;
	v11 =	vshrl.u32 v11, $0x5;
	[tilespmem:s23+$0x4500] =	vst v12  }
0x199: {  	s11 =	sor.u32 s12, s11;
	v15 =	vsub.s32 v7, v13;
	v11 =	vadd.s32 $0xFFFFFFF9, v11;
	[tilespmem:s26+$0x8500] =	vst v12  }
0x19a: {  	s18 =	simm.s32 $0x80;
	p0 =	por $0x0, $0x0;
	v17 =	vsub.s32 $0x0, v15;
	[tilespmem:s11+$0xC500] =	vst v12;
	v12 =	vsub.s32 $0x0, v11  }
0x19b: {  	v14 =	vmin.u32 v11, v12;
	v15 =	vmin.u32 v15, v17  }
0x19c: {  	v14 =	vshll.u32 v14, $0x6;
	v16 =	vshll.u32 v15, $0x3  }
0x19d: {  	vm0 =	vlt.s32 v15, $0x8;
	v14 =	vadd.s32 v14, v16  }
0x19e: {  	v14 =	vnsel vm0, $0x200, v14  }
0x19f: {  	p3 =	por $0x1, $0x1;
	v14 =	vor.u32 v0, v14  }
.Ltmp27:
0x1a0: {  	s12 =	simm.s32 $0x10;
	(pc) =	sbr.rel @!p3 .LBB2_53-.Ltmp27, $4  }
0x1a1: {  	v15 =	vmov s12;
	v16 =	vor.u32 s12, v10  }
0x1a2: {  	v15 =	vshrl.u32 v15, $0x5;
	v17 =	vand.u32 $0x1F, v16  }
0x1a3: {  	s14 =	simm.s32 $0x100;
	p2 =	por $0x1, $0x1;
	s15 =	simm.s32 $0x10;
	v16 =	vadd.s32 $0xFFFFFFF9, v15;
	v15 =	vsub.s32 v7, v17  }
0x1a4: {  	s16 =	simm.s32 $0x0;
	s13 =	simm.s32 $0x0;
	s11 =	simm.s32 $0x80;
	v18 =	vsub.s32 $0x0, v16;
	v17 =	vsub.s32 $0x0, v15;
	v14 =	vld.idx.msk [tilespmem:v14+s19+$0x0], $0xffff  }
.LBB2_54:
0x1a5: {  	p3 =	sne.s32 s14, $0xE80;
	v16 =	vmin.u32 v16, v18;
	v15 =	vmin.u32 v15, v17;
	s15 =	sadd.s32 $0x10, s15  }
0x1a6: {  	s17 =	sand.u32 $0xC00, s16;
	s20 =	sadd.s32 $0x1700, s16;
	s21 =	sand.u32 $0x70, s13;
	v16 =	vshll.u32 v16, $0x6;
	v17 =	vshll.u32 v15, $0x3  }
0x1a7: {  	s22 =	sadd.s32 $0x1600, s16;
	s16 =	sadd.s32 $0x1500, s16;
	s23 =	sadd.s32 $0x2E0, s13;
	vm0 =	vlt.s32 v15, $0x8;
	v15 =	vadd.s32 v16, v17  }
0x1a8: {  	s24 =	sadd.s32 $0x2C0, s13;
	s13 =	sadd.s32 $0x2A0, s13;
	s20 =	sand.u32 $0x3C00, s20;
	v15 =	vnsel vm0, $0x200, v15  }
0x1a9: {  	s17 =	sor.u32 s21, s17;
	s21 =	sand.u32 $0x70, s23;
	s22 =	sand.u32 $0x3C00, s22;
	v19 =	vor.u32 v0, v15  }
.Ltmp28:
0x1aa: {  	[tilespmem:s17+$0x1D80] =	vst v14;
	s17 =	sor.u32 s21, s20;
	s20 =	sand.u32 $0x70, s24;
	(pc) =	sbr.rel @p3 .LBB2_54-.Ltmp28, $4  }
0x1ab: {  	s13 =	sand.u32 $0x70, s13;
	s16 =	sand.u32 $0x3C00, s16;
	v16 =	vor.u32 s15, v10;
	v15 =	vmov s15;
	[tilespmem:s17+$0x4580] =	vst v14;
	s17 =	sor.u32 s20, s22  }
0x1ac: {  	s16 =	sor.u32 s13, s16;
	s13 =	smov.u32 s12;
	s12 =	smov.u32 s15;
	v17 =	vand.u32 $0x1F, v16;
	v15 =	vshrl.u32 v15, $0x5;
	[tilespmem:s17+$0x8580] =	vst v14  }
0x1ad: {  	v16 =	vadd.s32 $0xFFFFFFF9, v15;
	v15 =	vsub.s32 v7, v17;
	[tilespmem:s16+$0xC580] =	vst v14;
	s16 =	smov.u32 s11;
	s11 =	smov.u32 s14  }
0x1ae: {  	v18 =	vsub.s32 $0x0, v16;
	v17 =	vsub.s32 $0x0, v15;
	s14 =	sadd.s32 $0x80, s14;
	v14 =	vld.idx.msk [tilespmem:v19+s19+$0x0], $0xffff  }
.LBB2_55:
0x1af: {  	v16 =	vmin.u32 v16, v18;
	v15 =	vmin.u32 v15, v17  }
0x1b0: {  	s14 =	sand.u32 @p2 $0xC00, s16;
	s15 =	sadd.s32 @p2 $0x1700, s16;
	v16 =	vshll.u32 v16, $0x6;
	v17 =	vshll.u32 v15, $0x3  }
0x1b1: {  	s17 =	sand.u32 @p2 $0x70, s13;
	s20 =	sadd.s32 @p2 $0x1600, s16;
	s16 =	sadd.s32 @p2 $0x1500, s16;
	vm0 =	vlt.s32 v15, $0x8;
	v15 =	vadd.s32 v16, v17  }
0x1b2: {  	s21 =	sadd.s32 @p2 $0x2E0, s13;
	s22 =	sadd.s32 @p2 $0x2C0, s13;
	s13 =	sadd.s32 @p2 $0x2A0, s13;
	v15 =	vnsel vm0, $0x200, v15  }
0x1b3: {  	s15 =	sand.u32 @p2 $0x3C00, s15;
	s14 =	sor.u32 @p2 s17, s14;
	s17 =	sand.u32 @p2 $0x70, s21;
	v15 =	vor.u32 v0, v15  }
0x1b4: {  	s20 =	sand.u32 @p2 $0x3C00, s20;
	[tilespmem:s14+$0x1D80] =	vst @p2 v14;
	s14 =	sor.u32 @p2 s17, s15;
	s15 =	sand.u32 @p2 $0x70, s22  }
0x1b5: {  	s13 =	sand.u32 @p2 $0x70, s13;
	[tilespmem:s14+$0x4580] =	vst @p2 v14;
	s14 =	sor.u32 @p2 s15, s20;
	s15 =	sand.u32 @p2 $0x3C00, s16  }
0x1b6: {  	[tilespmem:s14+$0x8580] =	vst @p2 v14;
	s13 =	sor.u32 @p2 s13, s15  }
0x1b7: {  	[tilespmem:s13+$0xC580] =	vst @p2 v14  }
0x1b8: {  	v15 =	vld.idx.msk [tilespmem:v15+s19+$0x0], $0xffff  }
0x1b9: {  	s23 =	sand.u32 $0xC00, s11;
	s24 =	sadd.s32 $0x1700, s11;
	s25 =	sand.u32 $0x70, s12  }
0x1ba: {  	s26 =	sadd.s32 $0x1600, s11;
	s11 =	sadd.s32 $0x1500, s11;
	s21 =	sadd.s32 $0x2C0, s12  }
0x1bb: {  	s20 =	sadd.s32 $0x2E0, s12;
	s16 =	sand.u32 $0x3C00, s26;
	s14 =	sand.u32 $0x3C00, s24  }
.Ltmp29:
0x1bc: {  	s22 =	sand.u32 $0x70, s20;
	s13 =	sor.u32 s25, s23;
	(pc) =	sbr.rel @!p1 .LBB2_56-.Ltmp29, $4  }
0x1bd: {  	s24 =	sand.u32 $0x70, s21;
	s23 =	sor.u32 s22, s14;
	s25 =	sadd.s32 $0x2A0, s12;
	[tilespmem:s13+$0x1D80] =	vst v15  }
0x1be: {  	s11 =	sand.u32 $0x3C00, s11;
	s26 =	sor.u32 s24, s16;
	s12 =	sand.u32 $0x70, s25;
	[tilespmem:s23+$0x4580] =	vst v15  }
0x1bf: {  	s15 =	simm.s32 $0x6;
	v14 =	vsub.s32 v8, v13;
	s11 =	sor.u32 s12, s11;
	[tilespmem:s26+$0x8580] =	vst v15  }
0x1c0: {  	s14 =	simm.s32 $0x2;
	s16 =	simm.s32 $0x10;
	s12 =	simm.s32 $0x4;
	[tilespmem:s11+$0xC580] =	vst v15;
	v15 =	vsub.s32 $0x0, v14  }
0x1c1: {  	v11 =	vmin.u32 v11, v12;
	v12 =	vmin.u32 v14, v15  }
0x1c2: {  	v11 =	vshll.u32 v11, $0x6;
	v13 =	vshll.u32 v12, $0x3  }
0x1c3: {  	vm0 =	vlt.s32 v12, $0x8;
	v11 =	vadd.s32 v11, v13  }
0x1c4: {  	v11 =	vnsel vm0, $0x200, v11  }
0x1c5: {  	p2 =	por $0x1, $0x1;
	v13 =	vor.u32 v0, v11  }
.Ltmp30:
0x1c6: {  	_ = 	snop;
	(pc) =	sbr.rel @!p2 .LBB2_58-.Ltmp30, $4  }
0x1c7: {  	v12 =	vor.u32 s16, v10;
	v11 =	vmov s16  }
0x1c8: {  	v12 =	vand.u32 $0x1F, v12;
	v11 =	vshrl.u32 v11, $0x5  }
0x1c9: {  	v14 =	vsub.s32 v8, v12;
	v11 =	vadd.s32 $0xFFFFFFF9, v11  }
0x1ca: {  	s13 =	simm.s32 $0x20;
	s11 =	simm.s32 $0x100;
	p1 =	por $0x1, $0x1;
	v15 =	vsub.s32 $0x0, v14;
	v12 =	vsub.s32 $0x0, v11;
	v13 =	vld.idx.msk [tilespmem:v13+s2+$0x0], $0xffff  }
0x1cb: {  	v11 =	vmin.u32 v11, v12;
	v12 =	vmin.u32 v14, v15;
	s17 =	sand.u32 $0x7, s15;
	s20 =	sand.u32 $0x70, s19  }
0x1cc: {  	s25 =	sand.u32 $0xC00, s19;
	s21 =	sand.u32 $0x7, s12;
	s22 =	sand.u32 $0x7, s14;
	v11 =	vshll.u32 v11, $0x6;
	v14 =	vshll.u32 v12, $0x3  }
0x1cd: {  	p2 =	por $0x1, $0x1;
	vm0 =	vlt.s32 v12, $0x8;
	s17 =	sshll.u32 s17, $0x4;
	s21 =	sshll.u32 s21, $0x4;
	v11 =	vadd.s32 v11, v14  }
0x1ce: {  	s19 =	sor.u32 s20, s25;
	s22 =	sshll.u32 s22, $0x4;
	s17 =	sadd.s32 $0x0, s17;
	v11 =	vnsel vm0, $0x200, v11  }
0x1cf: {  	s26 =	sadd.s32 $0x0, s21;
	s21 =	sadd.s32 $0x0, s22;
	s17 =	sadd.s32 $0x1700, s17;
	v16 =	vor.u32 v0, v11  }
.Ltmp31:
0x1d0: {  	s23 =	sadd.s32 $0x1600, s26;
	[tilespmem:s19+$0x1E00] =	vst v13;
	s17 =	sor.u32 $0x380, s17;
	(pc) =	sbr.rel @!p2 .LBB2_60-.Ltmp31, $4  }
0x1d1: {  	v12 =	vor.u32 s13, v10;
	s25 =	sadd.s32 $0x1500, s21;
	v11 =	vmov s13;
	s24 =	sor.u32 $0x380, s23;
	[tilespmem:s17+$0x4280] =	vst v13  }
0x1d2: {  	v12 =	vand.u32 $0x1F, v12;
	s26 =	sor.u32 $0x380, s25;
	v11 =	vshrl.u32 v11, $0x5;
	[tilespmem:s24+$0x8280] =	vst v13  }
0x1d3: {  	p0 =	por $0x1, $0x1;
	s20 =	simm.s32 $0x4;
	s22 =	simm.s32 $0x180;
	v14 =	vsub.s32 v8, v12;
	v11 =	vadd.s32 $0xFFFFFFF9, v11;
	[tilespmem:s26+$0xC280] =	vst v13  }
0x1d4: {  	s21 =	simm.s32 $0x2;
	s19 =	simm.s32 $0x30;
	v15 =	vsub.s32 $0x0, v14;
	s17 =	simm.s32 $0x7;
	v12 =	vsub.s32 $0x0, v11;
	v13 =	vld.idx.msk [tilespmem:v16+s2+$0x0], $0xffff  }
.LBB2_61:
0x1d5: {  	p2 =	sne.s32 s22, $0xE80;
	s20 =	sadd.s32 $0x1, s20  }
0x1d6: {  	v11 =	vmin.u32 v11, v12;
	v12 =	vmin.u32 v14, v15;
	s21 =	sadd.s32 $0x1, s21;
	s23 =	sand.u32 $0x7, s17;
	s16 =	sand.u32 $0x70, s16  }
0x1d7: {  	s24 =	sand.u32 $0xC00, s18;
	v11 =	vshll.u32 v11, $0x6;
	v14 =	vshll.u32 v12, $0x3;
	s23 =	sshll.u32 s23, $0x4;
	s25 =	sand.u32 $0x7, s20  }
0x1d8: {  	vm0 =	vlt.s32 v12, $0x8;
	s26 =	sand.u32 $0x7, s21;
	s16 =	sor.u32 s16, s24;
	v11 =	vadd.s32 v11, v14;
	s25 =	sshll.u32 s25, $0x4  }
0x1d9: {  	s23 =	sadd.s32 s18, s23;
	v11 =	vnsel vm0, $0x200, v11;
	s24 =	sadd.s32 s18, s25;
	s25 =	sshll.u32 s26, $0x4  }
0x1da: {  	s23 =	sadd.s32 $0x1700, s23;
	v16 =	vor.u32 v0, v11;
	s18 =	sadd.s32 s18, s25  }
.Ltmp32:
0x1db: {  	[tilespmem:s16+$0x1E00] =	vst v13;
	s16 =	sor.u32 $0x380, s23;
	s23 =	sadd.s32 $0x1600, s24;
	(pc) =	sbr.rel @p2 .LBB2_61-.Ltmp32, $4  }
0x1dc: {  	v12 =	vor.u32 s19, v10;
	v11 =	vmov s19;
	s18 =	sadd.s32 $0x1500, s18;
	[tilespmem:s16+$0x4280] =	vst v13;
	s23 =	sor.u32 $0x380, s23;
	s16 =	smov.u32 s13  }
0x1dd: {  	v12 =	vand.u32 $0x1F, v12;
	v11 =	vshrl.u32 v11, $0x5;
	s13 =	smov.u32 s19;
	[tilespmem:s23+$0x8280] =	vst v13;
	s23 =	sor.u32 $0x380, s18;
	s18 =	smov.u32 s11  }
0x1de: {  	v14 =	vsub.s32 v8, v12;
	v11 =	vadd.s32 $0xFFFFFFF9, v11;
	s11 =	smov.u32 s22;
	[tilespmem:s23+$0xC280] =	vst v13  }
0x1df: {  	s17 =	sadd.s32 $0x1, s17;
	v15 =	vsub.s32 $0x0, v14;
	s19 =	sadd.s32 $0x10, s19;
	v12 =	vsub.s32 $0x0, v11;
	s22 =	sadd.s32 $0x80, s22;
	v13 =	vld.idx.msk [tilespmem:v16+s2+$0x0], $0xffff  }
0x1e0: {  	s22 =	smov.u32 s18;
	s19 =	smov.u32 s13;
	s18 =	smov.u32 s11  }
.LBB2_63:
0x1e1: {  	s11 =	sadd.s32 @p0 $0x1, s20;
	s13 =	sadd.s32 @p0 $0x1, s21;
	s20 =	sand.u32 @p1 $0x7, s17  }
0x1e2: {  	v11 =	vmin.u32 v11, v12;
	v63 =	vmin.u32 v14, v15;
	s16 =	sand.u32 @p1 $0x70, s16;
	s21 =	sand.u32 @p1 $0xC00, s22;
	s23 =	simm.s32 $0x4  }
0x1e3: {  	v11 =	vshll.u32 v11, $0x6;
	v14 =	vshll.u32 v63, $0x3;
	s20 =	sshll.u32 @p1 s20, $0x4;
	s23 =	smov.u32 @p0 s11;
	s11 =	simm.s32 $0x2  }
0x1e4: {  	vm0 =	vlt.s32 v63, $0x8;
	s16 =	sor.u32 @p1 s16, s21;
	v11 =	vadd.s32 v11, v14;
	s11 =	smov.u32 @p0 s13;
	s13 =	sand.u32 @p1 $0x7, s23  }
0x1e5: {  	s20 =	sadd.s32 @p1 s22, s20;
	s21 =	sand.u32 @p1 $0x7, s11;
	v11 =	vnsel vm0, $0x200, v11;
	s13 =	sshll.u32 @p1 s13, $0x4  }
0x1e6: {  	s20 =	sadd.s32 @p1 $0x1700, s20;
	v11 =	vor.u32 v0, v11;
	s13 =	sadd.s32 @p1 s22, s13;
	s21 =	sshll.u32 @p1 s21, $0x4  }
0x1e7: {  	[tilespmem:s16+$0x1E00] =	vst @p1 v13;
	s16 =	sor.u32 @p1 $0x380, s20;
	s21 =	sadd.s32 @p1 s22, s21;
	s13 =	sadd.s32 @p1 $0x1600, s13  }
0x1e8: {  	[tilespmem:s16+$0x4280] =	vst @p1 v13;
	s13 =	sor.u32 @p1 $0x380, s13;
	s16 =	sadd.s32 @p1 $0x1500, s21  }
0x1e9: {  	[tilespmem:s13+$0x8280] =	vst @p1 v13;
	s13 =	sor.u32 @p1 $0x380, s16  }
0x1ea: {  	s24 =	sand.u32 $0x70, s19;
	s25 =	sand.u32 $0xC00, s18;
	s16 =	sadd.s32 @p1 $0x1, s17;
	[tilespmem:s13+$0xC280] =	vst @p1 v13  }
0x1eb: {  	s11 =	sadd.s32 @p1 $0x1, s11;
	s15 =	smov.u32 @p1 s16;
	s13 =	sadd.s32 @p1 $0x1, s23;
	v11 =	vld.idx.msk [tilespmem:v11+s2+$0x0], $0xffff  }
0x1ec: {  	s14 =	smov.u32 @p1 s11;
	s12 =	smov.u32 @p1 s13;
	s23 =	sand.u32 $0x7, s15  }
0x1ed: {  	s11 =	sor.u32 s24, s25;
	s13 =	sshll.u32 s23, $0x4;
	s12 =	sand.u32 $0x7, s12  }
0x1ee: {  	s14 =	sand.u32 $0x7, s14;
	s13 =	sadd.s32 s18, s13;
	s12 =	sshll.u32 s12, $0x4  }
0x1ef: {  	s14 =	sshll.u32 s14, $0x4;
	s12 =	sadd.s32 s18, s12;
	s13 =	sadd.s32 $0x1700, s13  }
0x1f0: {  	s14 =	sadd.s32 s18, s14;
	s26 =	sor.u32 $0x380, s13;
	s12 =	sadd.s32 $0x1600, s12;
	[tilespmem:s11+$0x1E00] =	vst v11  }
0x1f1: {  	s14 =	sadd.s32 $0x1500, s14;
	s13 =	sor.u32 $0x380, s12;
	[tilespmem:s26+$0x4280] =	vst v11  }
0x1f2: {  	s15 =	sor.u32 $0x380, s14;
	[tilespmem:s13+$0x8280] =	vst v11  }
0x1f3: {  	s17 =	simm.s32 $0x1E80;
	s16 =	rddreg [dreg:$0x5];
	[tilespmem:s15+$0xC280] =	vst v11  }
0x1f4: {  	[hbm4b:s16+s2] =	stream.linear.scatter [tilespmem:s17], [sflag:$0x1], $0x2000, $0x38;
	[tilespmem:$0x10280] =	vst v63  }
0x1f5: {  	s19 =	simm.s32 $0x5E80;
	s18 =	rddreg [dreg:$0x6]  }
0x1f6: {  	[hbm4b:s18+s2] =	stream.linear.scatter [tilespmem:s19], [sflag:$0x1], $0x2000, $0x38;
	[tilespmem:$0x10280] =	vst v63  }
0x1f7: {  	s20 =	rddreg [dreg:$0x7];
	s21 =	simm.s32 $0x9E80  }
0x1f8: {  	[hbm4b:s20+s2] =	stream.linear.scatter [tilespmem:s21], [sflag:$0x1], $0x2000, $0x38;
	[tilespmem:$0x10280] =	vst v63  }
0x1f9: {  	s22 =	simm.s32 $0xDE80  }
0x1fa: {  	[hbm4b:s5+s2] =	stream.linear.scatter [tilespmem:s22], [sflag:$0x1], $0x2000, $0x38;
	[tilespmem:$0x10280] =	vst v63  }
0x1fb: {  	s24 =	simm.s32 $0x1A80;
	s23 =	rddreg [dreg:$0x8]  }
0x1fc: {  	[hbm4b:s23+s2] =	stream.linear.scatter [tilespmem:s24], [sflag:$0x1], $0x2000, $0x38;
	[tilespmem:$0x10280] =	vst v63  }
0x1fd: {  	s25 =	rddreg [dreg:$0x9];
	s26 =	simm.s32 $0x5A80  }
0x1fe: {  	[hbm4b:s25+s2] =	stream.linear.scatter [tilespmem:s26], [sflag:$0x1], $0x2000, $0x38;
	[tilespmem:$0x10280] =	vst v63  }
0x1ff: {  	s14 =	simm.s32 $0x9A80;
	s13 =	rddreg [dreg:$0xa]  }
0x200: {  	[hbm4b:s13+s2] =	stream.linear.scatter [tilespmem:s14], [sflag:$0x1], $0x2000, $0x38;
	[tilespmem:$0x10280] =	vst v63  }
0x201: {  	s15 =	rddreg [dreg:$0xb];
	s16 =	simm.s32 $0xDA80  }
0x202: {  	[hbm4b:s15+s2] =	stream.linear.scatter [tilespmem:s16], [sflag:$0x1], $0x2000, $0x38;
	[tilespmem:$0x10280] =	vst v63  }
0x203: {  	s17 =	rddreg [dreg:$0xc];
	s18 =	simm.s32 $0x1680  }
0x204: {  	[hbm4b:s17+s2] =	stream.linear.scatter [tilespmem:s18], [sflag:$0x1], $0x2000, $0x38;
	[tilespmem:$0x10280] =	vst v63  }
0x205: {  	s19 =	rddreg [dreg:$0xd];
	s20 =	simm.s32 $0x5680  }
0x206: {  	[hbm4b:s19+s2] =	stream.linear.scatter [tilespmem:s20], [sflag:$0x1], $0x2000, $0x38;
	[tilespmem:$0x10280] =	vst v63  }
0x207: {  	s21 =	rddreg [dreg:$0xe];
	s22 =	simm.s32 $0x9680  }
0x208: {  	[hbm4b:s21+s2] =	stream.linear.scatter [tilespmem:s22], [sflag:$0x1], $0x2000, $0x38;
	[tilespmem:$0x10280] =	vst v63  }
0x209: {  	s23 =	rddreg [dreg:$0xf];
	s24 =	simm.s32 $0xD680  }
0x20a: {  	[hbm4b:s23+s2] =	stream.linear.scatter [tilespmem:s24], [sflag:$0x1], $0x2000, $0x38;
	[tilespmem:$0x10280] =	vst v63  }
0x20b: {  	s25 =	rddreg [dreg:$0x10];
	s26 =	simm.s32 $0x1280  }
0x20c: {  	[hbm4b:s25+s2] =	stream.linear.scatter [tilespmem:s26], [sflag:$0x1], $0x2000, $0x38;
	[tilespmem:$0x10280] =	vst v63  }
0x20d: {  	s13 =	rddreg [dreg:$0x11];
	s14 =	simm.s32 $0x5280  }
0x20e: {  	[hbm4b:s13+s2] =	stream.linear.scatter [tilespmem:s14], [sflag:$0x1], $0x2000, $0x38;
	[tilespmem:$0x10280] =	vst v63  }
0x20f: {  	s15 =	rddreg [dreg:$0x12];
	s16 =	simm.s32 $0x9280  }
0x210: {  	[hbm4b:s15+s2] =	stream.linear.scatter [tilespmem:s16], [sflag:$0x1], $0x2000, $0x38;
	[tilespmem:$0x10280] =	vst v63  }
0x211: {  	s17 =	rddreg [dreg:$0x13];
	s18 =	simm.s32 $0xD280  }
0x212: {  	[hbm4b:s17+s2] =	stream.linear.scatter [tilespmem:s18], [sflag:$0x1], $0x2000, $0x38;
	[tilespmem:$0x10280] =	vst v63  }
0x213: {  	s19 =	rddreg [dreg:$0x14];
	s20 =	simm.s32 $0xE80  }
0x214: {  	[hbm4b:s19+s2] =	stream.linear.scatter [tilespmem:s20], [sflag:$0x1], $0x2000, $0x38;
	[tilespmem:$0x10280] =	vst v63  }
0x215: {  	s21 =	rddreg [dreg:$0x15];
	s22 =	simm.s32 $0x4E80  }
0x216: {  	[hbm4b:s21+s2] =	stream.linear.scatter [tilespmem:s22], [sflag:$0x1], $0x2000, $0x38;
	[tilespmem:$0x10280] =	vst v63  }
0x217: {  	s23 =	rddreg [dreg:$0x16];
	s24 =	simm.s32 $0x8E80  }
0x218: {  	[hbm4b:s23+s2] =	stream.linear.scatter [tilespmem:s24], [sflag:$0x1], $0x2000, $0x38;
	[tilespmem:$0x10280] =	vst v63  }
0x219: {  	s25 =	rddreg [dreg:$0x17];
	s26 =	simm.s32 $0xCE80  }
0x21a: {  	[hbm4b:s25+s2] =	stream.linear.scatter [tilespmem:s26], [sflag:$0x1], $0x2000, $0x38;
	[tilespmem:$0x10280] =	vst v63  }
0x21b: {  	s12 =	rddreg [dreg:$0x18];
	s13 =	simm.s32 $0xA80  }
0x21c: {  	[hbm4b:s12+s2] =	stream.linear.scatter [tilespmem:s13], [sflag:$0x1], $0x2000, $0x38;
	[tilespmem:$0x10280] =	vst v63  }
0x21d: {  	s14 =	rddreg [dreg:$0x19];
	s15 =	simm.s32 $0x4A80  }
0x21e: {  	[hbm4b:s14+s2] =	stream.linear.scatter [tilespmem:s15], [sflag:$0x1], $0x2000, $0x38;
	[tilespmem:$0x10280] =	vst v63  }
0x21f: {  	s16 =	simm.s32 $0x8A80  }
0x220: {  	[hbm4b:s28+s2] =	stream.linear.scatter [tilespmem:s16], [sflag:$0x1], $0x2000, $0x38;
	[tilespmem:$0x10280] =	vst v63  }
0x221: {  	s17 =	simm.s32 $0xCA80  }
0x222: {  	[hbm4b:s29+s2] =	stream.linear.scatter [tilespmem:s17], [sflag:$0x1], $0x2000, $0x38;
	[tilespmem:$0x10280] =	vst v63  }
0x223: {  	s18 =	simm.s32 $0x680  }
0x224: {  	[hbm4b:s30+s2] =	stream.linear.scatter [tilespmem:s18], [sflag:$0x1], $0x2000, $0x38;
	[tilespmem:$0x10280] =	vst v63  }
0x225: {  	s19 =	simm.s32 $0x4680  }
0x226: {  	[hbm4b:s31+s2] =	stream.linear.scatter [tilespmem:s19], [sflag:$0x1], $0x2000, $0x38;
	[tilespmem:$0x10280] =	vst v63  }
0x227: {  	s20 =	simm.s32 $0x8680  }
0x228: {  	[hbm4b:s0+s2] =	stream.linear.scatter [tilespmem:s20], [sflag:$0x1], $0x2000, $0x38;
	[tilespmem:$0x10280] =	vst v63  }
0x229: {  	s21 =	simm.s32 $0xC680  }
0x22a: {  	[hbm4b:s1+s2] =	stream.linear.scatter [tilespmem:s21], [sflag:$0x1], $0x2000, $0x38;
	[tilespmem:$0x10280] =	vst v63  }
0x22b: {  	s22 =	simm.s32 $0x280  }
0x22c: {  	[hbm4b:s3+s2] =	stream.linear.scatter [tilespmem:s22], [sflag:$0x1], $0x2000, $0x38;
	[tilespmem:$0x10280] =	vst v63  }
0x22d: {  	s23 =	simm.s32 $0x4280  }
0x22e: {  	[hbm4b:s4+s2] =	stream.linear.scatter [tilespmem:s23], [sflag:$0x1], $0x2000, $0x38;
	[tilespmem:$0x10280] =	vst v63  }
0x22f: {  	s24 =	simm.s32 $0x8280  }
0x230: {  	[hbm4b:s6+s2] =	stream.linear.scatter [tilespmem:s24], [sflag:$0x1], $0x2000, $0x38;
	[tilespmem:$0x10280] =	vst v63  }
0x231: {  	s25 =	simm.s32 $0xC280  }
0x232: {  	[hbm4b:s7+s2] =	stream.linear.scatter [tilespmem:s25], [sflag:$0x1], $0x2000, $0x38;
	[tilespmem:$0x10280] =	vst v63  }
0x233: {  	_ =	swait.ge [sflag:s9], $0x2000  }
0x234: {  	[sflag:s9] =	ssyncset.done $0x0  }
0x235: {  	[sflag:s9] =	ssyncadd.s32 $0xFFFFE000  }
0x236: {  	_ =	swait.ge [sflag:s9], $0x2000  }
0x237: {  	[sflag:s9] =	ssyncset.done $0x0  }
0x238: {  	[sflag:s9] =	ssyncadd.s32 $0xFFFFE000  }
0x239: {  	_ =	swait.ge [sflag:s9], $0x2000  }
0x23a: {  	[sflag:s9] =	ssyncset.done $0x0  }
0x23b: {  	[sflag:s9] =	ssyncadd.s32 $0xFFFFE000  }
0x23c: {  	_ =	swait.ge [sflag:s9], $0x2000  }
0x23d: {  	[sflag:s9] =	ssyncset.done $0x0  }
0x23e: {  	[sflag:s9] =	ssyncadd.s32 $0xFFFFE000  }
0x23f: {  	_ =	swait.ge [sflag:s9], $0x2000  }
0x240: {  	[sflag:s9] =	ssyncset.done $0x0  }
0x241: {  	[sflag:s9] =	ssyncadd.s32 $0xFFFFE000  }
0x242: {  	_ =	swait.ge [sflag:s9], $0x2000  }
0x243: {  	[sflag:s9] =	ssyncset.done $0x0  }
0x244: {  	[sflag:s9] =	ssyncadd.s32 $0xFFFFE000  }
0x245: {  	_ =	swait.ge [sflag:s9], $0x2000  }
0x246: {  	[sflag:s9] =	ssyncset.done $0x0  }
0x247: {  	[sflag:s9] =	ssyncadd.s32 $0xFFFFE000  }
0x248: {  	_ =	swait.ge [sflag:s9], $0x2000  }
0x249: {  	[sflag:s9] =	ssyncset.done $0x0  }
0x24a: {  	[sflag:s9] =	ssyncadd.s32 $0xFFFFE000  }
0x24b: {  	_ =	swait.ge [sflag:s9], $0x2000  }
0x24c: {  	[sflag:s9] =	ssyncset.done $0x0  }
0x24d: {  	[sflag:s9] =	ssyncadd.s32 $0xFFFFE000  }
0x24e: {  	_ =	swait.ge [sflag:s9], $0x2000  }
0x24f: {  	[sflag:s9] =	ssyncset.done $0x0  }
0x250: {  	[sflag:s9] =	ssyncadd.s32 $0xFFFFE000  }
0x251: {  	_ =	swait.ge [sflag:s9], $0x2000  }
0x252: {  	[sflag:s9] =	ssyncset.done $0x0  }
0x253: {  	[sflag:s9] =	ssyncadd.s32 $0xFFFFE000  }
0x254: {  	_ =	swait.ge [sflag:s9], $0x2000  }
0x255: {  	[sflag:s9] =	ssyncset.done $0x0  }
0x256: {  	[sflag:s9] =	ssyncadd.s32 $0xFFFFE000  }
0x257: {  	_ =	swait.ge [sflag:s9], $0x2000  }
0x258: {  	[sflag:s9] =	ssyncset.done $0x0  }
0x259: {  	[sflag:s9] =	ssyncadd.s32 $0xFFFFE000  }
0x25a: {  	_ =	swait.ge [sflag:s9], $0x2000  }
0x25b: {  	[sflag:s9] =	ssyncset.done $0x0  }
0x25c: {  	[sflag:s9] =	ssyncadd.s32 $0xFFFFE000  }
0x25d: {  	_ =	swait.ge [sflag:s9], $0x2000  }
0x25e: {  	[sflag:s9] =	ssyncset.done $0x0  }
0x25f: {  	[sflag:s9] =	ssyncadd.s32 $0xFFFFE000  }
0x260: {  	_ =	swait.ge [sflag:s9], $0x2000  }
0x261: {  	[sflag:s9] =	ssyncset.done $0x0  }
0x262: {  	[sflag:s9] =	ssyncadd.s32 $0xFFFFE000  }
0x263: {  	_ =	swait.ge [sflag:s9], $0x2000  }
0x264: {  	[sflag:s9] =	ssyncset.done $0x0  }
0x265: {  	[sflag:s9] =	ssyncadd.s32 $0xFFFFE000  }
0x266: {  	_ =	swait.ge [sflag:s9], $0x2000  }
0x267: {  	[sflag:s9] =	ssyncset.done $0x0  }
0x268: {  	[sflag:s9] =	ssyncadd.s32 $0xFFFFE000  }
0x269: {  	_ =	swait.ge [sflag:s9], $0x2000  }
0x26a: {  	[sflag:s9] =	ssyncset.done $0x0  }
0x26b: {  	[sflag:s9] =	ssyncadd.s32 $0xFFFFE000  }
0x26c: {  	_ =	swait.ge [sflag:s9], $0x2000  }
0x26d: {  	[sflag:s9] =	ssyncset.done $0x0  }
0x26e: {  	[sflag:s9] =	ssyncadd.s32 $0xFFFFE000  }
0x26f: {  	_ =	swait.ge [sflag:s9], $0x2000  }
0x270: {  	[sflag:s9] =	ssyncset.done $0x0  }
0x271: {  	[sflag:s9] =	ssyncadd.s32 $0xFFFFE000  }
0x272: {  	_ =	swait.ge [sflag:s9], $0x2000  }
0x273: {  	[sflag:s9] =	ssyncset.done $0x0  }
0x274: {  	[sflag:s9] =	ssyncadd.s32 $0xFFFFE000  }
0x275: {  	_ =	swait.ge [sflag:s9], $0x2000  }
0x276: {  	[sflag:s9] =	ssyncset.done $0x0  }
0x277: {  	[sflag:s9] =	ssyncadd.s32 $0xFFFFE000  }
0x278: {  	_ =	swait.ge [sflag:s9], $0x2000  }
0x279: {  	[sflag:s9] =	ssyncset.done $0x0  }
0x27a: {  	[sflag:s9] =	ssyncadd.s32 $0xFFFFE000  }
0x27b: {  	_ =	swait.ge [sflag:s9], $0x2000  }
0x27c: {  	[sflag:s9] =	ssyncset.done $0x0  }
0x27d: {  	[sflag:s9] =	ssyncadd.s32 $0xFFFFE000  }
0x27e: {  	_ =	swait.ge [sflag:s9], $0x2000  }
0x27f: {  	[sflag:s9] =	ssyncset.done $0x0  }
0x280: {  	[sflag:s9] =	ssyncadd.s32 $0xFFFFE000  }
0x281: {  	_ =	swait.ge [sflag:s9], $0x2000  }
0x282: {  	[sflag:s9] =	ssyncset.done $0x0  }
0x283: {  	[sflag:s9] =	ssyncadd.s32 $0xFFFFE000  }
0x284: {  	_ =	swait.ge [sflag:s9], $0x2000  }
0x285: {  	[sflag:s9] =	ssyncset.done $0x0  }
0x286: {  	[sflag:s9] =	ssyncadd.s32 $0xFFFFE000  }
0x287: {  	_ =	swait.ge [sflag:s9], $0x2000  }
0x288: {  	[sflag:s9] =	ssyncset.done $0x0  }
0x289: {  	[sflag:s9] =	ssyncadd.s32 $0xFFFFE000  }
0x28a: {  	_ =	swait.ge [sflag:s9], $0x2000  }
0x28b: {  	[sflag:s9] =	ssyncset.done $0x0  }
0x28c: {  	[sflag:s9] =	ssyncadd.s32 $0xFFFFE000  }
0x28d: {  	_ =	swait.ge [sflag:s9], $0x2000  }
0x28e: {  	[sflag:s9] =	ssyncset.done $0x0  }
0x28f: {  	[sflag:s9] =	ssyncadd.s32 $0xFFFFE000  }
0x290: {  	_ =	swait.ge [sflag:s9], $0x2000  }
0x291: {  	s10 =	sadd.s32 $0x1, s10;
	s26 =	rddreg [dreg:$0x4]  }
0x292: {  	p0 =	sne.s32 s10, s26  }
.Ltmp33:
0x293: {  	_ = 	snop;
	(pc) =	sbr.rel @p0 .LBB2_1-.Ltmp33, $4  }
.Ltmp34:
0x294: {  	_ = 	snop;
	(pc) =	sbr.rel @!p0 .LBB2_64-.Ltmp34, $4  }
0x295: {  	_ = 	snop  }
0x296: {  	[sflag:s9] =	ssyncset.done $0x0  }
0x297: {  	[sflag:s9] =	ssyncadd.s32 $0xFFFFE000  }
0x298: {  	_ = 	snop  }
.LBB2_18:
.Ltmp35:
0x299: {  	(pc) =	sbr.rel .LBB2_22-.Ltmp35, $2  }
0x29a: {  	_ =	sdelay $0x2  }
0x29b: {  	v16 =	vmov v11;
	v18 =	vmov v12;
	s11 =	simm.s32 $0x0;
	s14 =	simm.s32 $0x0;
	p2 =	por $0x0, $0x0  }
.LBB2_23:
.Ltmp36:
0x29c: {  	(pc) =	sbr.rel .LBB2_28-.Ltmp36, $2  }
0x29d: {  	_ =	sdelay $0x2  }
0x29e: {  	s12 =	simm.s32 $0x0  }
.LBB2_29:
.Ltmp37:
0x29f: {  	(pc) =	sbr.rel .LBB2_33-.Ltmp37, $2  }
0x2a0: {  	_ =	sdelay $0x2  }
0x2a1: {  	v16 =	vmov v11;
	v18 =	vmov v12;
	s12 =	simm.s32 $0x0;
	s14 =	simm.s32 $0x0;
	p2 =	por $0x0, $0x0  }
.LBB2_34:
.Ltmp38:
0x2a2: {  	(pc) =	sbr.rel .LBB2_39-.Ltmp38, $2  }
0x2a3: {  	_ =	sdelay $0x2  }
0x2a4: {  	s13 =	simm.s32 $0x0  }
.LBB2_40:
.Ltmp39:
0x2a5: {  	(pc) =	sbr.rel .LBB2_44-.Ltmp39, $2  }
0x2a6: {  	_ =	sdelay $0x2  }
0x2a7: {  	v16 =	vmov v11;
	v18 =	vmov v12;
	s13 =	simm.s32 $0x0;
	s14 =	simm.s32 $0x0;
	p2 =	por $0x0, $0x0  }
.LBB2_45:
.Ltmp40:
0x2a8: {  	(pc) =	sbr.rel .LBB2_50-.Ltmp40, $2  }
0x2a9: {  	_ =	sdelay $0x2  }
0x2aa: {  	s11 =	simm.s32 $0x0  }
.LBB2_51:
.Ltmp41:
0x2ab: {  	(pc) =	sbr.rel .LBB2_55-.Ltmp41, $2  }
0x2ac: {  	_ =	sdelay $0x2  }
0x2ad: {  	v16 =	vmov v11;
	v18 =	vmov v12;
	s12 =	simm.s32 $0x0;
	s11 =	simm.s32 $0x0;
	p2 =	por $0x0, $0x0  }
.LBB2_56:
.Ltmp42:
0x2ae: {  	(pc) =	sbr.rel .LBB2_63-.Ltmp42, $3  }
0x2af: {  	_ =	sdelay $0x1  }
0x2b0: {  	s20 =	simm.s32 $0x4;
	s21 =	simm.s32 $0x2  }
0x2b1: {  	s17 =	simm.s32 $0x6;
	s18 =	simm.s32 $0x0;
	p1 =	por $0x0, $0x0  }
.LBB2_20:
.Ltmp43:
0x2b2: {  	(pc) =	sbr.rel .LBB2_22-.Ltmp43, $2  }
0x2b3: {  	_ =	sdelay $0x2  }
0x2b4: {  	s18 =	simm.s32 $0x0;
	s15 =	simm.s32 $0x0;
	s14 =	simm.s32 $0x80  }
.LBB2_25:
.Ltmp44:
0x2b5: {  	(pc) =	sbr.rel .LBB2_28-.Ltmp44, $2  }
0x2b6: {  	_ =	sdelay $0x2  }
0x2b7: {  	s15 =	simm.s32 $0x0;
	s11 =	simm.s32 $0x0;
	s13 =	simm.s32 $0x10  }
.LBB2_31:
.Ltmp45:
0x2b8: {  	(pc) =	sbr.rel .LBB2_33-.Ltmp45, $2  }
0x2b9: {  	_ =	sdelay $0x2  }
0x2ba: {  	s18 =	simm.s32 $0x0;
	s15 =	simm.s32 $0x0;
	s14 =	simm.s32 $0x80  }
.LBB2_36:
.Ltmp46:
0x2bb: {  	(pc) =	sbr.rel .LBB2_39-.Ltmp46, $2  }
0x2bc: {  	_ =	sdelay $0x2  }
0x2bd: {  	s15 =	simm.s32 $0x0;
	s12 =	simm.s32 $0x0;
	s11 =	simm.s32 $0x10  }
.LBB2_42:
.Ltmp47:
0x2be: {  	(pc) =	sbr.rel .LBB2_44-.Ltmp47, $2  }
0x2bf: {  	_ =	sdelay $0x2  }
0x2c0: {  	s18 =	simm.s32 $0x0;
	s15 =	simm.s32 $0x0;
	s14 =	simm.s32 $0x80  }
.LBB2_47:
.Ltmp48:
0x2c1: {  	(pc) =	sbr.rel .LBB2_50-.Ltmp48, $2  }
0x2c2: {  	_ =	sdelay $0x2  }
0x2c3: {  	s15 =	simm.s32 $0x0;
	s13 =	simm.s32 $0x0;
	s12 =	simm.s32 $0x10  }
.LBB2_53:
.Ltmp49:
0x2c4: {  	(pc) =	sbr.rel .LBB2_55-.Ltmp49, $2  }
0x2c5: {  	_ =	sdelay $0x2  }
0x2c6: {  	s16 =	simm.s32 $0x0;
	s13 =	simm.s32 $0x0;
	s11 =	simm.s32 $0x80  }
.LBB2_58:
.Ltmp50:
0x2c7: {  	(pc) =	sbr.rel .LBB2_63-.Ltmp50, $3  }
0x2c8: {  	_ =	sdelay $0x1  }
0x2c9: {  	s20 =	simm.s32 $0x4;
	s21 =	simm.s32 $0x2;
	s17 =	simm.s32 $0x6  }
0x2ca: {  	s16 =	simm.s32 $0x0;
	s22 =	simm.s32 $0x0;
	s19 =	simm.s32 $0x10  }
.LBB2_60:
.Ltmp51:
0x2cb: {  	(pc) =	sbr.rel .LBB2_63-.Ltmp51, $3  }
0x2cc: {  	_ =	sdelay $0x1  }
0x2cd: {  	s20 =	simm.s32 $0x4;
	s21 =	simm.s32 $0x2  }
0x2ce: {  	s22 =	simm.s32 $0x80;
	s19 =	simm.s32 $0x20;
	s18 =	simm.s32 $0x100  }
.LBB2_64:
0x2cf: {  	_ =	sfence.sel $0x180000  }
0x2d0: {  	[bflag:$0x0] =	sbarrier.arrive $0xFFFF  }
0x2d1: {  	_ =	strace $0x90000047  }
0x2d2: {  	s0 =	stileid.u32;
	[bflag:$0x2] =	sbarrier.arrive $0xFFFF  }
0x2d3: {  	p0 =	sne.s32 s0, $0x0;
	s0 =	rddreg [dreg:$0x2]  }
0x2d4: {  	s0 =	sadd.s32 @!p0 $0x100000, s0  }
0x2d5: {  	[sflag:s0] =	ssyncadd.tile.s32 @!p0 $0x1;
	_ =	shalt  }
.Lfunc_end2:
_tile_overlayer_lowered:
.L_overlay_start_2:
0x2d6: {  	(tag) =	ssettag $0x2  }
0x2d7: {  	s0 =	rddreg [dreg:$0x0];
	s2 =	stileid.u32  }
0x2d8: {  	s1 =	rddreg [dreg:$0x1];
	p0 =	sne.s32 s2, $0x0  }
0x2d9: {  	s3 =	rddreg [dreg:$0x2];
	[bflag:$0x3] =	sbarrier.arrive $0xFFFF;
	s2 =	simm.s32 @!p0 $0x1C02  }
0x2da: {  	[timem:s3], [sflag:s2] =	dma.local @!p0 [hbm:s0], s1  }
0x2db: {  	s0 =	simm.s32 @!p0 $0x2  }
0x2dc: {  	_ =	swait.ge @!p0 [sflag:s0], s1  }
0x2dd: {  	s1 =	ssub.s32 @!p0 $0x0, s1;
	[sflag:s0] =	ssyncset.done @!p0 $0x0  }
0x2de: {  	[sflag:s0] =	ssyncadd.s32 @!p0 s1  }
0x2df: {  	[bflag:$0x3] =	sbarrier.arrive $0xFFFF  }
0x2e0: {  	_ =	shalt  }

</sc_bundles>
